<compile_context>
chip_gen: v7x
topology: tpu7x:2x2x1
jax: 0.10.2.dev20260603
libtpu: 0.0.44.dev20260713+nightly
codegen_flags: <defaults>
</compile_context>

<pallas_src>
import functools

import numpy as np
import jax
import jax.numpy as jnp
from jax import lax
from jax.experimental import pallas as pl
from jax.experimental.pallas import tpu as pltpu
from jax.experimental.pallas import tpu_sc as plsc

N = 10000
E = 320000
D = 128
H = 128
WALK_LEN = 5

NC = 2
NT = 16
L = 16
EPT = E // NT
UF = 10
NG = EPT // (L * UF)

_U32 = jnp.uint32
_I32 = jnp.int32
_F32 = jnp.float32


def _np_threefry2x32(k1, k2, x0, x1):
    x0 = np.uint32(x0)
    x1 = np.uint32(x1)
    ks0, ks1 = np.uint32(k1), np.uint32(k2)
    ks2 = np.uint32(ks0 ^ ks1 ^ np.uint32(0x1BD11BDA))
    rot = ((13, 15, 26, 6), (17, 29, 16, 24))

    def rotl(v, r):
        return np.uint32((np.uint32(v) << np.uint32(r)) | (np.uint32(v) >> np.uint32(32 - r)))

    x0 = np.uint32(x0 + ks0)
    x1 = np.uint32(x1 + ks1)
    ks = (ks0, ks1, ks2)
    for i in range(5):
        for r in rot[i % 2]:
            x0 = np.uint32(x0 + x1)
            x1 = rotl(x1, r)
            x1 = np.uint32(x0 ^ x1)
        x0 = np.uint32(x0 + ks[(i + 1) % 3])
        x1 = np.uint32(x1 + ks[(i + 2) % 3] + np.uint32(i + 1))
    return x0, x1


def _np_fold_in(key, d):
    return _np_threefry2x32(key[0], key[1], np.uint32(0), np.uint32(d))


def _step_keys():
    root = (np.uint32(0), np.uint32(42))
    out = np.zeros((2, WALK_LEN, 2), np.uint32)
    for g in range(2):
        gk = _np_fold_in(root, g)
        for i in range(WALK_LEN):
            sk = _np_fold_in(gk, i)
            out[g, i, 0] = sk[0]
            out[g, i, 1] = sk[1]
    return out


_STEP_KEYS = _step_keys()


def _tf_block(k1, k2, x0, x1):
    ks2 = k1 ^ k2 ^ np.uint32(0x1BD11BDA)
    ks = (k1, k2, ks2)
    rot = ((13, 15, 26, 6), (17, 29, 16, 24))
    x0 = x0 + k1
    x1 = x1 + k2
    for i in range(5):
        for r in rot[i % 2]:
            x0 = x0 + x1
            x1 = (x1 << np.uint32(r)) | (x1 >> np.uint32(32 - r))
            x1 = x0 ^ x1
        x0 = x0 + ks[(i + 1) % 3]
        x1 = x1 + ks[(i + 2) % 3] + np.uint32(i + 1)
    return x0, x1


def _vtake(vec, idx):
    return lax.gather(
        vec, idx[:, None],
        dimension_numbers=lax.GatherDimensionNumbers(
            offset_dims=(), collapsed_slice_dims=(0,), start_index_map=(0,)),
        slice_sizes=(1,),
        mode=lax.GatherScatterMode.PROMISE_IN_BOUNDS)


def _any_scalar(m):
    return plsc.all_reduce_population_count(m)[0] > 0


def _vmax_splat(x):
    iota = lax.iota(_I32, L)
    for sh in (8, 4, 2, 1):
        x = jnp.maximum(x, _vtake(x, iota ^ sh))
    return x


_LN2_HI = np.float32(0.69313812256)
_LN2_LO = np.float32(9.0580006145e-06)
_SQRT2 = np.float32(1.4142135624)
_TINY = np.float32(np.finfo(np.float32).tiny)


def _vlog(x):
    bits = plsc.bitcast(x, _I32)
    e = (bits >> 23) - 127
    m = plsc.bitcast((bits & 0x7FFFFF) | 0x3F800000, _F32)
    big = m > _SQRT2
    m = jnp.where(big, m * np.float32(0.5), m)
    e = jnp.where(big, e + 1, e)
    ef = e.astype(_F32)
    s = (m - np.float32(1.0)) / (m + np.float32(1.0))
    z = s * s
    p = z * (np.float32(2 / 3) + z * (np.float32(2 / 5) + z * (
        np.float32(2 / 7) + z * (np.float32(2 / 9) + z * (
            np.float32(2 / 11) + z * np.float32(2 / 13))))))
    lm = np.float32(2.0) * s + s * p
    return ef * _LN2_HI + (lm + ef * _LN2_LO)


def _gumbel_val(k1, k2, evec_i32, wvec):
    e_u = evec_i32.astype(_U32)
    o0, o1 = _tf_block(k1, k2, jnp.zeros((L,), _U32), e_u)
    bitsv = o0 ^ o1
    fb = (bitsv >> np.uint32(9)) | np.uint32(0x3F800000)
    u = plsc.bitcast(fb.astype(_U32), _F32) - np.float32(1.0)
    u = u + _TINY
    t = -_vlog(u)
    return _vlog(wvec / t)


def _walk_body(ei_app, ew_app, ei_loc, ew_loc, x_app, x_loc, x_time,
               keys_hbm, tgt_hbm,
               agg_app_o, tgt_app_o, agg_loc_o, tgt_loc_o, ftime_o, cand_hbm,
               src_v, dst_v, w_v, mbuf, keys_v, tgt_v, pub_v, cand_l, rows_v,
               tidx_v, sums_v, cand_sh, sem):
    c = lax.axis_index("c")
    s = lax.axis_index("s")
    base = s * EPT

    @pl.when(c == 0)
    def _():
        pltpu.sync_copy(ei_app.at[pl.ds(base, EPT)], src_v)
        pltpu.sync_copy(ei_app.at[pl.ds(E + base, EPT)], dst_v)
        pltpu.sync_copy(ew_app.at[pl.ds(base, EPT)], w_v)
        pltpu.sync_copy(keys_hbm.at[pl.ds(0, WALK_LEN * 2 * L)], keys_v)

    @pl.when(c == 1)
    def _():
        pltpu.sync_copy(ei_loc.at[pl.ds(base, EPT)], src_v)
        pltpu.sync_copy(ei_loc.at[pl.ds(E + base, EPT)], dst_v)
        pltpu.sync_copy(ew_loc.at[pl.ds(base, EPT)], w_v)
        pltpu.sync_copy(keys_hbm.at[pl.ds(WALK_LEN * 2 * L, WALK_LEN * 2 * L)],
                        keys_v)

    pltpu.sync_copy(tgt_hbm, tgt_v)

    iota = lax.iota(_I32, L)
    neg_inf = jnp.full((L,), -jnp.inf, _F32)
    zeros_i = jnp.zeros((L,), _I32)

    cur0 = tgt_v[...]
    nodes0 = jnp.where(iota == 0, cur0, 0)

    def step(i, carry):
        cur, nodes = carry
        k1 = plsc.bitcast(keys_v[pl.ds(i * 2 * L, L)], _U32)
        k2 = plsc.bitcast(keys_v[pl.ds(i * 2 * L + L, L)], _U32)

        def group(gi, c2):
            off = gi * (UF * L)
            masks = [src_v[pl.ds(off + j * L, L)] == cur for j in range(UF)]
            anym = functools.reduce(jnp.logical_or, masks)

            def slow(c3):
                def chunk(j, c4):
                    bv4, be4 = c4
                    coff = off + j * L
                    m = src_v[pl.ds(coff, L)] == cur

                    def hit(c5):
                        bv5, be5 = c5
                        lidx = coff + iota
                        val = _gumbel_val(k1, k2, base + lidx,
                                          w_v[pl.ds(coff, L)])
                        val = jnp.where(m, val, neg_inf)
                        bett = val > bv5
                        return (jnp.where(bett, val, bv5),
                                jnp.where(bett, lidx, be5))

                    return lax.cond(_any_scalar(m), hit, lambda c5: c5, c4)

                return lax.fori_loop(0, UF, chunk, c3)

            return lax.cond(_any_scalar(anym), slow, lambda c3: c3, c2)

        bv, be = lax.fori_loop(0, NG, group, (neg_inf, zeros_i))

        cmax = _vmax_splat(bv)
        lane = jnp.broadcast_to(plsc.all_reduce_ffs(bv == cmax), (L,))
        el = _vtake(be, lane)
        bd = plsc.load_gather(dst_v, [el])

        vbits = plsc.bitcast(cmax, _I32)
        pub = jnp.where(iota == 0, vbits, jnp.where(iota == 1, bd, 0))
        pub_v[...] = pub
        pltpu.sync_copy(pub_v, cand_hbm.at[c, s])
        plsc.subcore_barrier()
        pltpu.sync_copy(cand_hbm.at[c], cand_l)
        vals = plsc.bitcast(plsc.load_gather(cand_l, [iota, zeros_i]), _F32)
        dsts = plsc.load_gather(cand_l, [iota, zeros_i + 1])
        gmax = _vmax_splat(vals)
        lane2 = jnp.broadcast_to(plsc.all_reduce_ffs(vals == gmax), (L,))
        cur2 = _vtake(dsts, lane2)
        nodes2 = jnp.where(iota == i + 1, cur2, nodes)
        plsc.subcore_barrier()
        return cur2, nodes2

    _, nodes = lax.fori_loop(0, WALK_LEN, step, (cur0, nodes0))

    tidx_v[...] = jnp.where(iota < WALK_LEN + 1, nodes, 0)

    @pl.when(s == 0)
    def _():
        @pl.when(c == 0)
        def _():
            pltpu.async_copy(x_app.at[tidx_v], rows_v, sem).wait()
            for cc in range(D // L):
                sl = pl.ds(cc * L, L)
                acc = rows_v[0, sl]
                for r in range(1, WALK_LEN + 1):
                    acc = acc + rows_v[r, sl]
                sums_v[sl] = acc
            pltpu.sync_copy(sums_v, agg_app_o)
            pltpu.sync_copy(rows_v.at[0], tgt_app_o)
            pltpu.async_copy(x_time.at[tidx_v], rows_v, sem).wait()
            pltpu.sync_copy(rows_v.at[0], ftime_o)

        @pl.when(c == 1)
        def _():
            pltpu.async_copy(x_loc.at[tidx_v], rows_v, sem).wait()
            for cc in range(D // L):
                sl = pl.ds(cc * L, L)
                acc = rows_v[0, sl]
                for r in range(1, WALK_LEN + 1):
                    acc = acc + rows_v[r, sl]
                sums_v[sl] = acc
            pltpu.sync_copy(sums_v, agg_loc_o)
            pltpu.sync_copy(rows_v.at[0], tgt_loc_o)


def _make_walk_call(interpret=False):
    return pl.kernel(
        _walk_body,
        out_type=[jax.ShapeDtypeStruct((D,), _F32)] * 5
        + [jax.ShapeDtypeStruct((NC, NT, L), _I32)],
        mesh=plsc.VectorSubcoreMesh(core_axis_name="c", subcore_axis_name="s",
                                    num_cores=NC, num_subcores=NT),
        compiler_params=pltpu.CompilerParams(needs_layout_passes=False),
        interpret=interpret,
        scratch_types=[
            pltpu.VMEM((EPT,), _I32),
            pltpu.VMEM((EPT,), _I32),
            pltpu.VMEM((EPT,), _F32),
            pltpu.VMEM((L, EPT // L), _I32),
            pltpu.VMEM((WALK_LEN * 2 * L,), _I32),
            pltpu.VMEM((L,), _I32),
            pltpu.VMEM((L,), _I32),
            pltpu.VMEM((NT, L), _I32),
            pltpu.VMEM((L, D), _F32),
            pltpu.VMEM((L,), _I32),
            pltpu.VMEM((D,), _F32),
            pltpu.VMEM_SHARED((NT, L), _I32),
            pltpu.SemaphoreType.DMA,
        ],
    )


_walk_call = _make_walk_call()


def _tail_body(ta, aa, tl, al, ft, w1, b1, w2, b2, wa3, ba, out):
    f_app = jnp.maximum(
        jnp.dot(jnp.concatenate([ta[...], aa[...]], axis=1), w1[...],
                preferred_element_type=_F32,
                precision=lax.Precision.HIGHEST) + b1[...], 0.0)
    f_loc = jnp.maximum(
        jnp.dot(jnp.concatenate([tl[...], al[...]], axis=1), w2[...],
                preferred_element_type=_F32,
                precision=lax.Precision.HIGHEST) + b2[...], 0.0)
    f_time = ft[...]
    wa = wa3[...]

    def dotv(f, j):
        return jnp.sum(f[0, :] * wa[j, :])

    bias = ba[0, 0]
    s0 = dotv(f_app, 0) + dotv(f_loc, 1) + dotv(f_time, 2) + bias
    s1 = dotv(f_loc, 0) + dotv(f_time, 1) + dotv(f_app, 2) + bias
    s2 = dotv(f_time, 0) + dotv(f_app, 1) + dotv(f_loc, 2) + bias
    m = jnp.maximum(jnp.maximum(s0, s1), s2)
    e0 = jnp.exp(s0 - m)
    e1 = jnp.exp(s1 - m)
    e2 = jnp.exp(s2 - m)
    tot = e0 + e1 + e2
    out[...] = (e0 * f_app + e1 * f_loc + e2 * f_time) / tot


_tail_call = pl.pallas_call(
    _tail_body,
    out_shape=jax.ShapeDtypeStruct((1, D), _F32),
)


def kernel(x_app, x_loc, x_time, edge_index_app, edge_weight_app,
           edge_index_loc, edge_weight_loc, W1, b1, W2, b2, Wa, ba,
           target_node):
    keys = np.zeros((2, WALK_LEN * 2 * L), np.int32)
    for g in range(2):
        for i in range(WALK_LEN):
            keys[g, i * 2 * L:i * 2 * L + L] = np.int32(_STEP_KEYS[g, i, 0].view(np.int32))
            keys[g, i * 2 * L + L:(i + 1) * 2 * L] = np.int32(_STEP_KEYS[g, i, 1].view(np.int32))
    keys = jnp.asarray(keys.reshape(-1))
    tgt = jnp.full((L,), target_node, _I32)

    agg_app, tgt_app, agg_loc, tgt_loc, f_time, _ = _walk_call(
        edge_index_app.astype(_I32).reshape(2 * E), edge_weight_app,
        edge_index_loc.astype(_I32).reshape(2 * E), edge_weight_loc,
        x_app, x_loc, x_time, keys, tgt)

    out = _tail_call(
        tgt_app.reshape(1, D), agg_app.reshape(1, D),
        tgt_loc.reshape(1, D), agg_loc.reshape(1, D),
        f_time.reshape(1, D),
        W1, b1.reshape(1, H), W2, b2.reshape(1, H),
        Wa.reshape(3, H), ba.reshape(1, 1))
    return out.reshape(H)

# --- scband reference (transcript-rebuilt; emitter-appended) ---
"""Pipeline reference for scband-gin-app-39702677684365 (READ-ONLY COPY).

The authoritative reference and input builder live on the scoring server;
editing this copy changes nothing except your own understanding.
"""

import jax, jax.numpy as jnp
import numpy as np

N = 10000
E = 320000
D = 128
H = 128
WALK_LEN = 5


def setup_inputs(seed: int = 0) -> dict:
    key = jax.random.key(seed)
    ks = jax.random.split(key, 12)
    x_app = jax.random.normal(ks[0], (N, D), dtype=jnp.float32)
    x_loc = jax.random.normal(ks[1], (N, D), dtype=jnp.float32)
    x_time = jax.random.normal(ks[2], (N, H), dtype=jnp.float32)
    edge_index_app = jax.random.randint(ks[3], (2, E), 0, N)
    edge_weight_app = jax.random.uniform(ks[4], (E,), dtype=jnp.float32, minval=1e-3, maxval=1.0)
    edge_index_loc = jax.random.randint(ks[5], (2, E), 0, N)
    edge_weight_loc = jax.random.uniform(ks[6], (E,), dtype=jnp.float32, minval=1e-3, maxval=1.0)
    W1 = jax.random.normal(ks[7], (2 * D, H), dtype=jnp.float32) * 0.05
    b1 = jnp.zeros((H,), dtype=jnp.float32)
    W2 = jax.random.normal(ks[8], (2 * D, H), dtype=jnp.float32) * 0.05
    b2 = jnp.zeros((H,), dtype=jnp.float32)
    Wa = jax.random.normal(ks[9], (3 * H, 1), dtype=jnp.float32) * 0.05
    ba = jnp.zeros((1,), dtype=jnp.float32)
    return {
        'x_app': x_app, 'x_loc': x_loc, 'x_time': x_time,
        'edge_index_app': edge_index_app, 'edge_weight_app': edge_weight_app,
        'edge_index_loc': edge_index_loc, 'edge_weight_loc': edge_weight_loc,
        'W1': W1, 'b1': b1, 'W2': W2, 'b2': b2, 'Wa': Wa, 'ba': ba,
        'target_node': 1234,
    }


def _weighted_random_walk(edge_index, edge_weight, start_node, key, walk_length=WALK_LEN):
    # torch.multinomial over neighbors of current node -> masked categorical over all edges
    src = edge_index[0]
    dst = edge_index[1]
    logw = jnp.log(edge_weight)
    cur = jnp.asarray(start_node)
    nodes = [cur]
    for i in range(walk_length):
        logits = jnp.where(src == cur, logw, -jnp.inf)
        eidx = jax.random.categorical(jax.random.fold_in(key, i), logits)
        cur = dst[eidx]
        nodes.append(cur)
    return jnp.stack(nodes)  # [walk_length + 1]


def _same_type_agg(target_feat, neighbor_feats, W, b):
    aggregated = neighbor_feats.sum(axis=0)
    combined = jnp.concatenate([target_feat, aggregated], axis=-1)
    return jax.nn.relu(combined @ W + b)


def reference(x_app, x_loc, x_time, edge_index_app, edge_weight_app,
              edge_index_loc, edge_weight_loc, W1, b1, W2, b2, Wa, ba, target_node):
    walk_key = jax.random.key(42)
    app_neighbors = _weighted_random_walk(edge_index_app, edge_weight_app, target_node, jax.random.fold_in(walk_key, 0))
    loc_neighbors = _weighted_random_walk(edge_index_loc, edge_weight_loc, target_node, jax.random.fold_in(walk_key, 1))
    f_app = _same_type_agg(x_app[target_node], x_app[app_neighbors], W1, b1)
    f_loc = _same_type_agg(x_loc[target_node], x_loc[loc_neighbors], W2, b2)
    f_time = x_time[target_node]
    feats = [f_app, f_loc, f_time]
    # CrossTypeAttention: Linear(sum(feat_dims)=3H -> 1), softmax over the 3 feature types
    combined = jnp.stack([
        jnp.concatenate([feats[i], feats[(i + 1) % 3], feats[(i + 2) % 3]], axis=-1)
        for i in range(3)
    ])  # [3, 3H]
    scores = jax.nn.softmax(combined @ Wa + ba, axis=0)  # [3, 1]
    f_final = (scores * jnp.stack(feats)).sum(axis=0)  # [H]
    return f_final

if __name__ == "__main__":
    import jax
    _d = setup_inputs()
    print(jax.jit(kernel)(*tuple(_d.values())))

</pallas_src>

<mosaic_0001>
#map = affine_map<(d0, d1) -> (0)>
#map1 = affine_map<(d0, d1) -> (0, 0)>
#map2 = affine_map<(d0, d1) -> (0, 0, 0)>
module attributes {stable_mosaic.version = 14 : i64} {
  func.func @_walk_body(%arg0: i32, %arg1: i32, %arg2: memref<640000xi32, #tpu.memory_space<hbm>>, %arg3: memref<320000xf32, #tpu.memory_space<hbm>>, %arg4: memref<640000xi32, #tpu.memory_space<hbm>>, %arg5: memref<320000xf32, #tpu.memory_space<hbm>>, %arg6: memref<10000x128xf32, #tpu.memory_space<hbm>>, %arg7: memref<10000x128xf32, #tpu.memory_space<hbm>>, %arg8: memref<10000x128xf32, #tpu.memory_space<hbm>>, %arg9: memref<320xi32, #tpu.memory_space<hbm>>, %arg10: memref<16xi32, #tpu.memory_space<hbm>>, %arg11: memref<128xf32, #tpu.memory_space<hbm>>, %arg12: memref<128xf32, #tpu.memory_space<hbm>>, %arg13: memref<128xf32, #tpu.memory_space<hbm>>, %arg14: memref<128xf32, #tpu.memory_space<hbm>>, %arg15: memref<128xf32, #tpu.memory_space<hbm>>, %arg16: memref<2x16x16xi32, #tpu.memory_space<hbm>>, %arg17: memref<20000xi32, #tpu.memory_space<vmem>>, %arg18: memref<20000xi32, #tpu.memory_space<vmem>>, %arg19: memref<20000xf32, #tpu.memory_space<vmem>>, %arg20: memref<16x1250xi32, #tpu.memory_space<vmem>>, %arg21: memref<160xi32, #tpu.memory_space<vmem>>, %arg22: memref<16xi32, #tpu.memory_space<vmem>>, %arg23: memref<16xi32, #tpu.memory_space<vmem>>, %arg24: memref<16x16xi32, #tpu.memory_space<vmem>>, %arg25: memref<16x128xf32, #tpu.memory_space<vmem>>, %arg26: memref<16xi32, #tpu.memory_space<vmem>>, %arg27: memref<128xf32, #tpu.memory_space<vmem>>, %arg28: memref<16x16xi32, #tpu.memory_space<vmem_shared>>, %arg29: memref<!tpu.dma_semaphore, #tpu.memory_space<semaphore_mem>>) attributes {dimension_semantics = [#tpu.dimension_semantics<core_parallel>, #tpu.dimension_semantics<subcore_parallel>], iteration_bounds = array<i64: 2, 16>, scalar_prefetch = 0 : i64, scratch_operands = 13 : i64, tpu.core_type = #tpu.core_type<sc_vector_subcore>, window_params = [{transform_indices = #map}, {transform_indices = #map}, {transform_indices = #map}, {transform_indices = #map}, {transform_indices = #map1}, {transform_indices = #map1}, {transform_indices = #map1}, {transform_indices = #map}, {transform_indices = #map}, {transform_indices = #map}, {transform_indices = #map}, {transform_indices = #map}, {transform_indices = #map}, {transform_indices = #map}, {transform_indices = #map2}]} {
    %mul3A = arith.constant 20000 : i32
    %mul3A_0 = arith.muli %arg1, %mul3A : i32
    %eq3A = arith.constant 0 : i32
    %eq3A_1 = arith.cmpi eq, %arg0, %eq3A : i32
    %convert_element_type3A = arith.extui %eq3A_1 : i1 to i32
    %cond3A = arith.constant 0 : i32
    %cond3A_2 = arith.cmpi ne, %convert_element_type3A, %cond3A : i32
    scf.if %cond3A_2 {
      "tpu.region"() ({
        %run_scoped3A = tpu.sem_alloc : memref<!tpu.dma_semaphore, #tpu.memory_space<semaphore_mem>>
        %dma_start3A = tpu.memref_slice %arg2[%mul3A_0] : memref<640000xi32, #tpu.memory_space<hbm>> -> memref<20000xi32, #tpu.memory_space<hbm>>
        %dma_start3A_33 = tpu.memref_slice %arg2[%mul3A_0] : memref<640000xi32, #tpu.memory_space<hbm>> -> memref<20000xi32, #tpu.memory_space<hbm>>
        tpu.enqueue_dma source(%dma_start3A_33 : memref<20000xi32, #tpu.memory_space<hbm>>) target(%arg17 : memref<20000xi32, #tpu.memory_space<vmem>>) target_semaphore(%run_scoped3A : memref<!tpu.dma_semaphore, #tpu.memory_space<semaphore_mem>>)
        %dma_wait3A = tpu.memref_slice %arg2[%mul3A_0] : memref<640000xi32, #tpu.memory_space<hbm>> -> memref<20000xi32, #tpu.memory_space<hbm>>
        %dma_wait3A_34 = tpu.memref_slice %arg2[%mul3A_0] : memref<640000xi32, #tpu.memory_space<hbm>> -> memref<20000xi32, #tpu.memory_space<hbm>>
        tpu.wait_dma2 semaphore(%run_scoped3A : memref<!tpu.dma_semaphore, #tpu.memory_space<semaphore_mem>>) src(%dma_wait3A_34 : memref<20000xi32, #tpu.memory_space<hbm>>) dst(%arg17 : memref<20000xi32, #tpu.memory_space<vmem>>)
        tpu.yield
      }) : () -> ()
      %add3A = arith.constant 320000 : i32
      %add3A_32 = arith.addi %add3A, %mul3A_0 : i32
      "tpu.region"() ({
        %run_scoped3A = tpu.sem_alloc : memref<!tpu.dma_semaphore, #tpu.memory_space<semaphore_mem>>
        %dma_start3A = tpu.memref_slice %arg2[%add3A_32] : memref<640000xi32, #tpu.memory_space<hbm>> -> memref<20000xi32, #tpu.memory_space<hbm>>
        %dma_start3A_33 = tpu.memref_slice %arg2[%add3A_32] : memref<640000xi32, #tpu.memory_space<hbm>> -> memref<20000xi32, #tpu.memory_space<hbm>>
        tpu.enqueue_dma source(%dma_start3A_33 : memref<20000xi32, #tpu.memory_space<hbm>>) target(%arg18 : memref<20000xi32, #tpu.memory_space<vmem>>) target_semaphore(%run_scoped3A : memref<!tpu.dma_semaphore, #tpu.memory_space<semaphore_mem>>)
        %dma_wait3A = tpu.memref_slice %arg2[%add3A_32] : memref<640000xi32, #tpu.memory_space<hbm>> -> memref<20000xi32, #tpu.memory_space<hbm>>
        %dma_wait3A_34 = tpu.memref_slice %arg2[%add3A_32] : memref<640000xi32, #tpu.memory_space<hbm>> -> memref<20000xi32, #tpu.memory_space<hbm>>
        tpu.wait_dma2 semaphore(%run_scoped3A : memref<!tpu.dma_semaphore, #tpu.memory_space<semaphore_mem>>) src(%dma_wait3A_34 : memref<20000xi32, #tpu.memory_space<hbm>>) dst(%arg18 : memref<20000xi32, #tpu.memory_space<vmem>>)
        tpu.yield
      }) : () -> ()
      "tpu.region"() ({
        %run_scoped3A = tpu.sem_alloc : memref<!tpu.dma_semaphore, #tpu.memory_space<semaphore_mem>>
        %dma_start3A = tpu.memref_slice %arg3[%mul3A_0] : memref<320000xf32, #tpu.memory_space<hbm>> -> memref<20000xf32, #tpu.memory_space<hbm>>
        %dma_start3A_33 = tpu.memref_slice %arg3[%mul3A_0] : memref<320000xf32, #tpu.memory_space<hbm>> -> memref<20000xf32, #tpu.memory_space<hbm>>
        tpu.enqueue_dma source(%dma_start3A_33 : memref<20000xf32, #tpu.memory_space<hbm>>) target(%arg19 : memref<20000xf32, #tpu.memory_space<vmem>>) target_semaphore(%run_scoped3A : memref<!tpu.dma_semaphore, #tpu.memory_space<semaphore_mem>>)
        %dma_wait3A = tpu.memref_slice %arg3[%mul3A_0] : memref<320000xf32, #tpu.memory_space<hbm>> -> memref<20000xf32, #tpu.memory_space<hbm>>
        %dma_wait3A_34 = tpu.memref_slice %arg3[%mul3A_0] : memref<320000xf32, #tpu.memory_space<hbm>> -> memref<20000xf32, #tpu.memory_space<hbm>>
        tpu.wait_dma2 semaphore(%run_scoped3A : memref<!tpu.dma_semaphore, #tpu.memory_space<semaphore_mem>>) src(%dma_wait3A_34 : memref<20000xf32, #tpu.memory_space<hbm>>) dst(%arg19 : memref<20000xf32, #tpu.memory_space<vmem>>)
        tpu.yield
      }) : () -> ()
      "tpu.region"() ({
        %run_scoped3A = tpu.sem_alloc : memref<!tpu.dma_semaphore, #tpu.memory_space<semaphore_mem>>
        %dma_start3A = arith.constant 0 : i32
        %dma_start3A_33 = tpu.memref_slice %arg9[%dma_start3A] : memref<320xi32, #tpu.memory_space<hbm>> -> memref<160xi32, #tpu.memory_space<hbm>>
        %dma_start3A_34 = arith.constant 0 : i32
        %dma_start3A_35 = tpu.memref_slice %arg9[%dma_start3A_34] : memref<320xi32, #tpu.memory_space<hbm>> -> memref<160xi32, #tpu.memory_space<hbm>>
        tpu.enqueue_dma source(%dma_start3A_35 : memref<160xi32, #tpu.memory_space<hbm>>) target(%arg21 : memref<160xi32, #tpu.memory_space<vmem>>) target_semaphore(%run_scoped3A : memref<!tpu.dma_semaphore, #tpu.memory_space<semaphore_mem>>)
        %dma_wait3A = arith.constant 0 : i32
        %dma_wait3A_36 = tpu.memref_slice %arg9[%dma_wait3A] : memref<320xi32, #tpu.memory_space<hbm>> -> memref<160xi32, #tpu.memory_space<hbm>>
        %dma_wait3A_37 = arith.constant 0 : i32
        %dma_wait3A_38 = tpu.memref_slice %arg9[%dma_wait3A_37] : memref<320xi32, #tpu.memory_space<hbm>> -> memref<160xi32, #tpu.memory_space<hbm>>
        tpu.wait_dma2 semaphore(%run_scoped3A : memref<!tpu.dma_semaphore, #tpu.memory_space<semaphore_mem>>) src(%dma_wait3A_38 : memref<160xi32, #tpu.memory_space<hbm>>) dst(%arg21 : memref<160xi32, #tpu.memory_space<vmem>>)
        tpu.yield
      }) : () -> ()
    } else {
    }
    %eq3A_3 = arith.constant 1 : i32
    %eq3A_4 = arith.cmpi eq, %arg0, %eq3A_3 : i32
    %convert_element_type3A_5 = arith.extui %eq3A_4 : i1 to i32
    %cond3A_6 = arith.constant 0 : i32
    %cond3A_7 = arith.cmpi ne, %convert_element_type3A_5, %cond3A_6 : i32
    scf.if %cond3A_7 {
      "tpu.region"() ({
        %run_scoped3A = tpu.sem_alloc : memref<!tpu.dma_semaphore, #tpu.memory_space<semaphore_mem>>
        %dma_start3A = tpu.memref_slice %arg4[%mul3A_0] : memref<640000xi32, #tpu.memory_space<hbm>> -> memref<20000xi32, #tpu.memory_space<hbm>>
        %dma_start3A_33 = tpu.memref_slice %arg4[%mul3A_0] : memref<640000xi32, #tpu.memory_space<hbm>> -> memref<20000xi32, #tpu.memory_space<hbm>>
        tpu.enqueue_dma source(%dma_start3A_33 : memref<20000xi32, #tpu.memory_space<hbm>>) target(%arg17 : memref<20000xi32, #tpu.memory_space<vmem>>) target_semaphore(%run_scoped3A : memref<!tpu.dma_semaphore, #tpu.memory_space<semaphore_mem>>)
        %dma_wait3A = tpu.memref_slice %arg4[%mul3A_0] : memref<640000xi32, #tpu.memory_space<hbm>> -> memref<20000xi32, #tpu.memory_space<hbm>>
        %dma_wait3A_34 = tpu.memref_slice %arg4[%mul3A_0] : memref<640000xi32, #tpu.memory_space<hbm>> -> memref<20000xi32, #tpu.memory_space<hbm>>
        tpu.wait_dma2 semaphore(%run_scoped3A : memref<!tpu.dma_semaphore, #tpu.memory_space<semaphore_mem>>) src(%dma_wait3A_34 : memref<20000xi32, #tpu.memory_space<hbm>>) dst(%arg17 : memref<20000xi32, #tpu.memory_space<vmem>>)
        tpu.yield
      }) : () -> ()
      %add3A = arith.constant 320000 : i32
      %add3A_32 = arith.addi %add3A, %mul3A_0 : i32
      "tpu.region"() ({
        %run_scoped3A = tpu.sem_alloc : memref<!tpu.dma_semaphore, #tpu.memory_space<semaphore_mem>>
        %dma_start3A = tpu.memref_slice %arg4[%add3A_32] : memref<640000xi32, #tpu.memory_space<hbm>> -> memref<20000xi32, #tpu.memory_space<hbm>>
        %dma_start3A_33 = tpu.memref_slice %arg4[%add3A_32] : memref<640000xi32, #tpu.memory_space<hbm>> -> memref<20000xi32, #tpu.memory_space<hbm>>
        tpu.enqueue_dma source(%dma_start3A_33 : memref<20000xi32, #tpu.memory_space<hbm>>) target(%arg18 : memref<20000xi32, #tpu.memory_space<vmem>>) target_semaphore(%run_scoped3A : memref<!tpu.dma_semaphore, #tpu.memory_space<semaphore_mem>>)
        %dma_wait3A = tpu.memref_slice %arg4[%add3A_32] : memref<640000xi32, #tpu.memory_space<hbm>> -> memref<20000xi32, #tpu.memory_space<hbm>>
        %dma_wait3A_34 = tpu.memref_slice %arg4[%add3A_32] : memref<640000xi32, #tpu.memory_space<hbm>> -> memref<20000xi32, #tpu.memory_space<hbm>>
        tpu.wait_dma2 semaphore(%run_scoped3A : memref<!tpu.dma_semaphore, #tpu.memory_space<semaphore_mem>>) src(%dma_wait3A_34 : memref<20000xi32, #tpu.memory_space<hbm>>) dst(%arg18 : memref<20000xi32, #tpu.memory_space<vmem>>)
        tpu.yield
      }) : () -> ()
      "tpu.region"() ({
        %run_scoped3A = tpu.sem_alloc : memref<!tpu.dma_semaphore, #tpu.memory_space<semaphore_mem>>
        %dma_start3A = tpu.memref_slice %arg5[%mul3A_0] : memref<320000xf32, #tpu.memory_space<hbm>> -> memref<20000xf32, #tpu.memory_space<hbm>>
        %dma_start3A_33 = tpu.memref_slice %arg5[%mul3A_0] : memref<320000xf32, #tpu.memory_space<hbm>> -> memref<20000xf32, #tpu.memory_space<hbm>>
        tpu.enqueue_dma source(%dma_start3A_33 : memref<20000xf32, #tpu.memory_space<hbm>>) target(%arg19 : memref<20000xf32, #tpu.memory_space<vmem>>) target_semaphore(%run_scoped3A : memref<!tpu.dma_semaphore, #tpu.memory_space<semaphore_mem>>)
        %dma_wait3A = tpu.memref_slice %arg5[%mul3A_0] : memref<320000xf32, #tpu.memory_space<hbm>> -> memref<20000xf32, #tpu.memory_space<hbm>>
        %dma_wait3A_34 = tpu.memref_slice %arg5[%mul3A_0] : memref<320000xf32, #tpu.memory_space<hbm>> -> memref<20000xf32, #tpu.memory_space<hbm>>
        tpu.wait_dma2 semaphore(%run_scoped3A : memref<!tpu.dma_semaphore, #tpu.memory_space<semaphore_mem>>) src(%dma_wait3A_34 : memref<20000xf32, #tpu.memory_space<hbm>>) dst(%arg19 : memref<20000xf32, #tpu.memory_space<vmem>>)
        tpu.yield
      }) : () -> ()
      "tpu.region"() ({
        %run_scoped3A = tpu.sem_alloc : memref<!tpu.dma_semaphore, #tpu.memory_space<semaphore_mem>>
        %dma_start3A = arith.constant 160 : i32
        %dma_start3A_33 = tpu.memref_slice %arg9[%dma_start3A] : memref<320xi32, #tpu.memory_space<hbm>> -> memref<160xi32, #tpu.memory_space<hbm>>
        %dma_start3A_34 = arith.constant 160 : i32
        %dma_start3A_35 = tpu.memref_slice %arg9[%dma_start3A_34] : memref<320xi32, #tpu.memory_space<hbm>> -> memref<160xi32, #tpu.memory_space<hbm>>
        tpu.enqueue_dma source(%dma_start3A_35 : memref<160xi32, #tpu.memory_space<hbm>>) target(%arg21 : memref<160xi32, #tpu.memory_space<vmem>>) target_semaphore(%run_scoped3A : memref<!tpu.dma_semaphore, #tpu.memory_space<semaphore_mem>>)
        %dma_wait3A = arith.constant 160 : i32
        %dma_wait3A_36 = tpu.memref_slice %arg9[%dma_wait3A] : memref<320xi32, #tpu.memory_space<hbm>> -> memref<160xi32, #tpu.memory_space<hbm>>
        %dma_wait3A_37 = arith.constant 160 : i32
        %dma_wait3A_38 = tpu.memref_slice %arg9[%dma_wait3A_37] : memref<320xi32, #tpu.memory_space<hbm>> -> memref<160xi32, #tpu.memory_space<hbm>>
        tpu.wait_dma2 semaphore(%run_scoped3A : memref<!tpu.dma_semaphore, #tpu.memory_space<semaphore_mem>>) src(%dma_wait3A_38 : memref<160xi32, #tpu.memory_space<hbm>>) dst(%arg21 : memref<160xi32, #tpu.memory_space<vmem>>)
        tpu.yield
      }) : () -> ()
    } else {
    }
    "tpu.region"() ({
      %run_scoped3A = tpu.sem_alloc : memref<!tpu.dma_semaphore, #tpu.memory_space<semaphore_mem>>
      tpu.enqueue_dma source(%arg10 : memref<16xi32, #tpu.memory_space<hbm>>) target(%arg22 : memref<16xi32, #tpu.memory_space<vmem>>) target_semaphore(%run_scoped3A : memref<!tpu.dma_semaphore, #tpu.memory_space<semaphore_mem>>)
      tpu.wait_dma2 semaphore(%run_scoped3A : memref<!tpu.dma_semaphore, #tpu.memory_space<semaphore_mem>>) src(%arg10 : memref<16xi32, #tpu.memory_space<hbm>>) dst(%arg22 : memref<16xi32, #tpu.memory_space<vmem>>)
      tpu.yield
    }) : () -> ()
    %iota3A = tpu.iota {dimensions = array<i32: 0>} : vector<16xi32>
    %broadcast_in_dim3A = arith.constant 0xFF800000 : f32
    %broadcast_in_dim3A_8 = vector.broadcast %broadcast_in_dim3A : f32 to vector<16xf32>
    %broadcast_in_dim3A_9 = arith.constant 0 : i32
    %broadcast_in_dim3A_10 = vector.broadcast %broadcast_in_dim3A_9 : i32 to vector<16xi32>
    %get3A = arith.constant 0 : index
    %get3A_11 = tpu.vector_load %arg22[%get3A] {strides = array<i32>} : memref<16xi32, #tpu.memory_space<vmem>>, vector<16xi32>,
    %eq3A_12 = arith.constant 0 : i32
    %eq3A_13 = vector.broadcast %eq3A_12 : i32 to vector<16xi32>
    %eq3A_14 = arith.cmpi eq, %iota3A, %eq3A_13 : vector<16xi32>
    %jit3A = arith.constant 0 : i32
    %broadcast_in_dim3A_15 = vector.broadcast %jit3A : i32 to vector<16xi32>
    %select_n3A = arith.select %eq3A_14, %get3A_11, %broadcast_in_dim3A_15 : vector<16xi1>, vector<16xi32>
    %scan3A = arith.constant 0 : i32
    %scan3A_16 = arith.constant 5 : i32
    %scan3A_17 = arith.addi %scan3A, %scan3A_16 : i32
    %scan3A_18 = arith.constant 1 : i32
    %scan3A_19:2 = scf.for %scan3A_32 = %scan3A to %scan3A_17 step %scan3A_18 iter_args(%scan3A_33 = %get3A_11, %scan3A_34 = %select_n3A) -> (vector<16xi32>, vector<16xi32>)  : i32 {
      %mul3A_35 = arith.constant 2 : i32
      %mul3A_36 = arith.muli %scan3A_32, %mul3A_35 : i32
      %mul3A_37 = arith.constant 16 : i32
      %mul3A_38 = arith.muli %mul3A_36, %mul3A_37 : i32
      %get3A_39 = arith.index_cast %mul3A_38 : i32 to index
      %get3A_40 = tpu.vector_load %arg21[%get3A_39] {strides = array<i32>} : memref<160xi32, #tpu.memory_space<vmem>>, vector<16xi32>,
      %bitcast3A = vector.bitcast %get3A_40 : vector<16xi32> to vector<16xi32>
      %mul3A_41 = arith.constant 2 : i32
      %mul3A_42 = arith.muli %scan3A_32, %mul3A_41 : i32
      %mul3A_43 = arith.constant 16 : i32
      %mul3A_44 = arith.muli %mul3A_42, %mul3A_43 : i32
      %add3A = arith.constant 16 : i32
      %add3A_45 = arith.addi %mul3A_44, %add3A : i32
      %get3A_46 = arith.index_cast %add3A_45 : i32 to index
      %get3A_47 = tpu.vector_load %arg21[%get3A_46] {strides = array<i32>} : memref<160xi32, #tpu.memory_space<vmem>>, vector<16xi32>,
      %bitcast3A_48 = vector.bitcast %get3A_47 : vector<16xi32> to vector<16xi32>
      %scan3A_49 = arith.constant 0 : i32
      %scan3A_50 = arith.constant 125 : i32
      %scan3A_51 = arith.addi %scan3A_49, %scan3A_50 : i32
      %scan3A_52 = arith.constant 1 : i32
      %scan3A_53:2 = scf.for %scan3A_145 = %scan3A_49 to %scan3A_51 step %scan3A_52 iter_args(%scan3A_146 = %broadcast_in_dim3A_8, %scan3A_147 = %broadcast_in_dim3A_10) -> (vector<16xf32>, vector<16xi32>)  : i32 {
        %mul3A_148 = arith.constant 160 : i32
        %mul3A_149 = arith.muli %scan3A_145, %mul3A_148 : i32
        %add3A_150 = arith.constant 0 : i32
        %add3A_151 = arith.addi %mul3A_149, %add3A_150 : i32
        %get3A_152 = arith.index_cast %add3A_151 : i32 to index
        %get3A_153 = tpu.vector_load %arg17[%get3A_152] {strides = array<i32>} : memref<20000xi32, #tpu.memory_space<vmem>>, vector<16xi32>,
        %eq3A_154 = arith.cmpi eq, %get3A_153, %scan3A_33 : vector<16xi32>
        %add3A_155 = arith.constant 16 : i32
        %add3A_156 = arith.addi %mul3A_149, %add3A_155 : i32
        %get3A_157 = arith.index_cast %add3A_156 : i32 to index
        %get3A_158 = tpu.vector_load %arg17[%get3A_157] {strides = array<i32>} : memref<20000xi32, #tpu.memory_space<vmem>>, vector<16xi32>,
        %eq3A_159 = arith.cmpi eq, %get3A_158, %scan3A_33 : vector<16xi32>
        %add3A_160 = arith.constant 32 : i32
        %add3A_161 = arith.addi %mul3A_149, %add3A_160 : i32
        %get3A_162 = arith.index_cast %add3A_161 : i32 to index
        %get3A_163 = tpu.vector_load %arg17[%get3A_162] {strides = array<i32>} : memref<20000xi32, #tpu.memory_space<vmem>>, vector<16xi32>,
        %eq3A_164 = arith.cmpi eq, %get3A_163, %scan3A_33 : vector<16xi32>
        %add3A_165 = arith.constant 48 : i32
        %add3A_166 = arith.addi %mul3A_149, %add3A_165 : i32
        %get3A_167 = arith.index_cast %add3A_166 : i32 to index
        %get3A_168 = tpu.vector_load %arg17[%get3A_167] {strides = array<i32>} : memref<20000xi32, #tpu.memory_space<vmem>>, vector<16xi32>,
        %eq3A_169 = arith.cmpi eq, %get3A_168, %scan3A_33 : vector<16xi32>
        %add3A_170 = arith.constant 64 : i32
        %add3A_171 = arith.addi %mul3A_149, %add3A_170 : i32
        %get3A_172 = arith.index_cast %add3A_171 : i32 to index
        %get3A_173 = tpu.vector_load %arg17[%get3A_172] {strides = array<i32>} : memref<20000xi32, #tpu.memory_space<vmem>>, vector<16xi32>,
        %eq3A_174 = arith.cmpi eq, %get3A_173, %scan3A_33 : vector<16xi32>
        %add3A_175 = arith.constant 80 : i32
        %add3A_176 = arith.addi %mul3A_149, %add3A_175 : i32
        %get3A_177 = arith.index_cast %add3A_176 : i32 to index
        %get3A_178 = tpu.vector_load %arg17[%get3A_177] {strides = array<i32>} : memref<20000xi32, #tpu.memory_space<vmem>>, vector<16xi32>,
        %eq3A_179 = arith.cmpi eq, %get3A_178, %scan3A_33 : vector<16xi32>
        %add3A_180 = arith.constant 96 : i32
        %add3A_181 = arith.addi %mul3A_149, %add3A_180 : i32
        %get3A_182 = arith.index_cast %add3A_181 : i32 to index
        %get3A_183 = tpu.vector_load %arg17[%get3A_182] {strides = array<i32>} : memref<20000xi32, #tpu.memory_space<vmem>>, vector<16xi32>,
        %eq3A_184 = arith.cmpi eq, %get3A_183, %scan3A_33 : vector<16xi32>
        %add3A_185 = arith.constant 112 : i32
        %add3A_186 = arith.addi %mul3A_149, %add3A_185 : i32
        %get3A_187 = arith.index_cast %add3A_186 : i32 to index
        %get3A_188 = tpu.vector_load %arg17[%get3A_187] {strides = array<i32>} : memref<20000xi32, #tpu.memory_space<vmem>>, vector<16xi32>,
        %eq3A_189 = arith.cmpi eq, %get3A_188, %scan3A_33 : vector<16xi32>
        %add3A_190 = arith.constant 128 : i32
        %add3A_191 = arith.addi %mul3A_149, %add3A_190 : i32
        %get3A_192 = arith.index_cast %add3A_191 : i32 to index
        %get3A_193 = tpu.vector_load %arg17[%get3A_192] {strides = array<i32>} : memref<20000xi32, #tpu.memory_space<vmem>>, vector<16xi32>,
        %eq3A_194 = arith.cmpi eq, %get3A_193, %scan3A_33 : vector<16xi32>
        %add3A_195 = arith.constant 144 : i32
        %add3A_196 = arith.addi %mul3A_149, %add3A_195 : i32
        %get3A_197 = arith.index_cast %add3A_196 : i32 to index
        %get3A_198 = tpu.vector_load %arg17[%get3A_197] {strides = array<i32>} : memref<20000xi32, #tpu.memory_space<vmem>>, vector<16xi32>,
        %eq3A_199 = arith.cmpi eq, %get3A_198, %scan3A_33 : vector<16xi32>
        %or3A = arith.ori %eq3A_154, %eq3A_159 : vector<16xi1>
        %or3A_200 = arith.ori %or3A, %eq3A_164 : vector<16xi1>
        %or3A_201 = arith.ori %or3A_200, %eq3A_169 : vector<16xi1>
        %or3A_202 = arith.ori %or3A_201, %eq3A_174 : vector<16xi1>
        %or3A_203 = arith.ori %or3A_202, %eq3A_179 : vector<16xi1>
        %or3A_204 = arith.ori %or3A_203, %eq3A_184 : vector<16xi1>
        %or3A_205 = arith.ori %or3A_204, %eq3A_189 : vector<16xi1>
        %or3A_206 = arith.ori %or3A_205, %eq3A_194 : vector<16xi1>
        %or3A_207 = arith.ori %or3A_206, %eq3A_199 : vector<16xi1>
        %all_reduce_population_count3A = tpu.all_reduce %or3A_207 {dim = 0 : i64, kind = #tpu.reduction_kind<sum>} : vector<16xi1> -> vector<16xi32>
        %slice3A = vector.extract_strided_slice %all_reduce_population_count3A {offsets = [0], sizes = [1], strides = [1]} : vector<16xi32> to vector<1xi32>
        %squeeze3A = vector.extract %slice3A[0] : i32 from vector<1xi32>
        %gt3A = arith.constant 0 : i32
        %gt3A_208 = arith.cmpi sgt, %squeeze3A, %gt3A : i32
        %convert_element_type3A_209 = arith.extui %gt3A_208 : i1 to i32
        %cond3A_210 = arith.constant 0 : i32
        %cond3A_211 = arith.cmpi ne, %convert_element_type3A_209, %cond3A_210 : i32
        %cond3A_212:2 = scf.if %cond3A_211 -> (vector<16xf32>, vector<16xi32>) {
          %scan3A_213 = arith.constant 0 : i32
          %scan3A_214 = arith.constant 10 : i32
          %scan3A_215 = arith.addi %scan3A_213, %scan3A_214 : i32
          %scan3A_216 = arith.constant 1 : i32
          %scan3A_217:2 = scf.for %scan3A_219 = %scan3A_213 to %scan3A_215 step %scan3A_216 iter_args(%scan3A_220 = %scan3A_146, %scan3A_221 = %scan3A_147) -> (vector<16xf32>, vector<16xi32>)  : i32 {
            %mul3A_222 = arith.constant 16 : i32
            %mul3A_223 = arith.muli %scan3A_219, %mul3A_222 : i32
            %add3A_224 = arith.addi %mul3A_149, %mul3A_223 : i32
            %get3A_225 = arith.index_cast %add3A_224 : i32 to index
            %get3A_226 = tpu.vector_load %arg17[%get3A_225] {strides = array<i32>} : memref<20000xi32, #tpu.memory_space<vmem>>, vector<16xi32>,
            %eq3A_227 = arith.cmpi eq, %get3A_226, %scan3A_33 : vector<16xi32>
            %all_reduce_population_count3A_228 = tpu.all_reduce %eq3A_227 {dim = 0 : i64, kind = #tpu.reduction_kind<sum>} : vector<16xi1> -> vector<16xi32>
            %slice3A_229 = vector.extract_strided_slice %all_reduce_population_count3A_228 {offsets = [0], sizes = [1], strides = [1]} : vector<16xi32> to vector<1xi32>
            %squeeze3A_230 = vector.extract %slice3A_229[0] : i32 from vector<1xi32>
            %gt3A_231 = arith.constant 0 : i32
            %gt3A_232 = arith.cmpi sgt, %squeeze3A_230, %gt3A_231 : i32
            %convert_element_type3A_233 = arith.extui %gt3A_232 : i1 to i32
            %cond3A_234 = arith.constant 0 : i32
            %cond3A_235 = arith.cmpi ne, %convert_element_type3A_233, %cond3A_234 : i32
            %cond3A_236:2 = scf.if %cond3A_235 -> (vector<16xf32>, vector<16xi32>) {
              %add3A_237 = vector.broadcast %add3A_224 : i32 to vector<16xi32>
              %add3A_238 = arith.addi %add3A_237, %iota3A : vector<16xi32>
              %add3A_239 = vector.broadcast %mul3A_0 : i32 to vector<16xi32>
              %add3A_240 = arith.addi %add3A_239, %add3A_238 : vector<16xi32>
              %get3A_241 = arith.index_cast %add3A_224 : i32 to index
              %get3A_242 = tpu.vector_load %arg19[%get3A_241] {strides = array<i32>} : memref<20000xf32, #tpu.memory_space<vmem>>, vector<16xf32>,
              %broadcast_in_dim3A_243 = arith.constant 0 : i32
              %broadcast_in_dim3A_244 = vector.broadcast %broadcast_in_dim3A_243 : i32 to vector<16xi32>
              %xor3A_245 = arith.xori %bitcast3A, %bitcast3A_48 : vector<16xi32>
              %xor3A_246 = arith.constant 466688986 : i32
              %xor3A_247 = vector.broadcast %xor3A_246 : i32 to vector<16xi32>
              %xor3A_248 = arith.xori %xor3A_245, %xor3A_247 : vector<16xi32>
              %add3A_249 = arith.addi %broadcast_in_dim3A_244, %bitcast3A : vector<16xi32>
              %add3A_250 = arith.addi %add3A_240, %bitcast3A_48 : vector<16xi32>
              %add3A_251 = arith.addi %add3A_249, %add3A_250 : vector<16xi32>
              %shift_left3A = arith.constant 13 : i32
              %shift_left3A_252 = vector.broadcast %shift_left3A : i32 to vector<16xi32>
              %shift_left3A_253 = arith.shli %add3A_250, %shift_left3A_252 : vector<16xi32>
              %shift_right_logical3A = arith.constant 19 : i32
              %shift_right_logical3A_254 = vector.broadcast %shift_right_logical3A : i32 to vector<16xi32>
              %shift_right_logical3A_255 = arith.shrui %add3A_250, %shift_right_logical3A_254 : vector<16xi32>
              %or3A_256 = arith.ori %shift_left3A_253, %shift_right_logical3A_255 : vector<16xi32>
              %xor3A_257 = arith.xori %add3A_251, %or3A_256 : vector<16xi32>
              %add3A_258 = arith.addi %add3A_251, %xor3A_257 : vector<16xi32>
              %shift_left3A_259 = arith.constant 15 : i32
              %shift_left3A_260 = vector.broadcast %shift_left3A_259 : i32 to vector<16xi32>
              %shift_left3A_261 = arith.shli %xor3A_257, %shift_left3A_260 : vector<16xi32>
              %shift_right_logical3A_262 = arith.constant 17 : i32
              %shift_right_logical3A_263 = vector.broadcast %shift_right_logical3A_262 : i32 to vector<16xi32>
              %shift_right_logical3A_264 = arith.shrui %xor3A_257, %shift_right_logical3A_263 : vector<16xi32>
              %or3A_265 = arith.ori %shift_left3A_261, %shift_right_logical3A_264 : vector<16xi32>
              %xor3A_266 = arith.xori %add3A_258, %or3A_265 : vector<16xi32>
              %add3A_267 = arith.addi %add3A_258, %xor3A_266 : vector<16xi32>
              %shift_left3A_268 = arith.constant 26 : i32
              %shift_left3A_269 = vector.broadcast %shift_left3A_268 : i32 to vector<16xi32>
              %shift_left3A_270 = arith.shli %xor3A_266, %shift_left3A_269 : vector<16xi32>
              %shift_right_logical3A_271 = arith.constant 6 : i32
              %shift_right_logical3A_272 = vector.broadcast %shift_right_logical3A_271 : i32 to vector<16xi32>
              %shift_right_logical3A_273 = arith.shrui %xor3A_266, %shift_right_logical3A_272 : vector<16xi32>
              %or3A_274 = arith.ori %shift_left3A_270, %shift_right_logical3A_273 : vector<16xi32>
              %xor3A_275 = arith.xori %add3A_267, %or3A_274 : vector<16xi32>
              %add3A_276 = arith.addi %add3A_267, %xor3A_275 : vector<16xi32>
              %shift_left3A_277 = arith.constant 6 : i32
              %shift_left3A_278 = vector.broadcast %shift_left3A_277 : i32 to vector<16xi32>
              %shift_left3A_279 = arith.shli %xor3A_275, %shift_left3A_278 : vector<16xi32>
              %shift_right_logical3A_280 = arith.constant 26 : i32
              %shift_right_logical3A_281 = vector.broadcast %shift_right_logical3A_280 : i32 to vector<16xi32>
              %shift_right_logical3A_282 = arith.shrui %xor3A_275, %shift_right_logical3A_281 : vector<16xi32>
              %or3A_283 = arith.ori %shift_left3A_279, %shift_right_logical3A_282 : vector<16xi32>
              %xor3A_284 = arith.xori %add3A_276, %or3A_283 : vector<16xi32>
              %add3A_285 = arith.addi %add3A_276, %bitcast3A_48 : vector<16xi32>
              %add3A_286 = arith.addi %xor3A_284, %xor3A_248 : vector<16xi32>
              %add3A_287 = arith.constant 1 : i32
              %add3A_288 = vector.broadcast %add3A_287 : i32 to vector<16xi32>
              %add3A_289 = arith.addi %add3A_286, %add3A_288 : vector<16xi32>
              %add3A_290 = arith.addi %add3A_285, %add3A_289 : vector<16xi32>
              %shift_left3A_291 = arith.constant 17 : i32
              %shift_left3A_292 = vector.broadcast %shift_left3A_291 : i32 to vector<16xi32>
              %shift_left3A_293 = arith.shli %add3A_289, %shift_left3A_292 : vector<16xi32>
              %shift_right_logical3A_294 = arith.constant 15 : i32
              %shift_right_logical3A_295 = vector.broadcast %shift_right_logical3A_294 : i32 to vector<16xi32>
              %shift_right_logical3A_296 = arith.shrui %add3A_289, %shift_right_logical3A_295 : vector<16xi32>
              %or3A_297 = arith.ori %shift_left3A_293, %shift_right_logical3A_296 : vector<16xi32>
              %xor3A_298 = arith.xori %add3A_290, %or3A_297 : vector<16xi32>
              %add3A_299 = arith.addi %add3A_290, %xor3A_298 : vector<16xi32>
              %shift_left3A_300 = arith.constant 29 : i32
              %shift_left3A_301 = vector.broadcast %shift_left3A_300 : i32 to vector<16xi32>
              %shift_left3A_302 = arith.shli %xor3A_298, %shift_left3A_301 : vector<16xi32>
              %shift_right_logical3A_303 = arith.constant 3 : i32
              %shift_right_logical3A_304 = vector.broadcast %shift_right_logical3A_303 : i32 to vector<16xi32>
              %shift_right_logical3A_305 = arith.shrui %xor3A_298, %shift_right_logical3A_304 : vector<16xi32>
              %or3A_306 = arith.ori %shift_left3A_302, %shift_right_logical3A_305 : vector<16xi32>
              %xor3A_307 = arith.xori %add3A_299, %or3A_306 : vector<16xi32>
              %add3A_308 = arith.addi %add3A_299, %xor3A_307 : vector<16xi32>
              %shift_left3A_309 = arith.constant 16 : i32
              %shift_left3A_310 = vector.broadcast %shift_left3A_309 : i32 to vector<16xi32>
              %shift_left3A_311 = arith.shli %xor3A_307, %shift_left3A_310 : vector<16xi32>
              %shift_right_logical3A_312 = arith.constant 16 : i32
              %shift_right_logical3A_313 = vector.broadcast %shift_right_logical3A_312 : i32 to vector<16xi32>
              %shift_right_logical3A_314 = arith.shrui %xor3A_307, %shift_right_logical3A_313 : vector<16xi32>
              %or3A_315 = arith.ori %shift_left3A_311, %shift_right_logical3A_314 : vector<16xi32>
              %xor3A_316 = arith.xori %add3A_308, %or3A_315 : vector<16xi32>
              %add3A_317 = arith.addi %add3A_308, %xor3A_316 : vector<16xi32>
              %shift_left3A_318 = arith.constant 24 : i32
              %shift_left3A_319 = vector.broadcast %shift_left3A_318 : i32 to vector<16xi32>
              %shift_left3A_320 = arith.shli %xor3A_316, %shift_left3A_319 : vector<16xi32>
              %shift_right_logical3A_321 = arith.constant 8 : i32
              %shift_right_logical3A_322 = vector.broadcast %shift_right_logical3A_321 : i32 to vector<16xi32>
              %shift_right_logical3A_323 = arith.shrui %xor3A_316, %shift_right_logical3A_322 : vector<16xi32>
              %or3A_324 = arith.ori %shift_left3A_320, %shift_right_logical3A_323 : vector<16xi32>
              %xor3A_325 = arith.xori %add3A_317, %or3A_324 : vector<16xi32>
              %add3A_326 = arith.addi %add3A_317, %xor3A_248 : vector<16xi32>
              %add3A_327 = arith.addi %xor3A_325, %bitcast3A : vector<16xi32>
              %add3A_328 = arith.constant 2 : i32
              %add3A_329 = vector.broadcast %add3A_328 : i32 to vector<16xi32>
              %add3A_330 = arith.addi %add3A_327, %add3A_329 : vector<16xi32>
              %add3A_331 = arith.addi %add3A_326, %add3A_330 : vector<16xi32>
              %shift_left3A_332 = arith.constant 13 : i32
              %shift_left3A_333 = vector.broadcast %shift_left3A_332 : i32 to vector<16xi32>
              %shift_left3A_334 = arith.shli %add3A_330, %shift_left3A_333 : vector<16xi32>
              %shift_right_logical3A_335 = arith.constant 19 : i32
              %shift_right_logical3A_336 = vector.broadcast %shift_right_logical3A_335 : i32 to vector<16xi32>
              %shift_right_logical3A_337 = arith.shrui %add3A_330, %shift_right_logical3A_336 : vector<16xi32>
              %or3A_338 = arith.ori %shift_left3A_334, %shift_right_logical3A_337 : vector<16xi32>
              %xor3A_339 = arith.xori %add3A_331, %or3A_338 : vector<16xi32>
              %add3A_340 = arith.addi %add3A_331, %xor3A_339 : vector<16xi32>
              %shift_left3A_341 = arith.constant 15 : i32
              %shift_left3A_342 = vector.broadcast %shift_left3A_341 : i32 to vector<16xi32>
              %shift_left3A_343 = arith.shli %xor3A_339, %shift_left3A_342 : vector<16xi32>
              %shift_right_logical3A_344 = arith.constant 17 : i32
              %shift_right_logical3A_345 = vector.broadcast %shift_right_logical3A_344 : i32 to vector<16xi32>
              %shift_right_logical3A_346 = arith.shrui %xor3A_339, %shift_right_logical3A_345 : vector<16xi32>
              %or3A_347 = arith.ori %shift_left3A_343, %shift_right_logical3A_346 : vector<16xi32>
              %xor3A_348 = arith.xori %add3A_340, %or3A_347 : vector<16xi32>
              %add3A_349 = arith.addi %add3A_340, %xor3A_348 : vector<16xi32>
              %shift_left3A_350 = arith.constant 26 : i32
              %shift_left3A_351 = vector.broadcast %shift_left3A_350 : i32 to vector<16xi32>
              %shift_left3A_352 = arith.shli %xor3A_348, %shift_left3A_351 : vector<16xi32>
              %shift_right_logical3A_353 = arith.constant 6 : i32
              %shift_right_logical3A_354 = vector.broadcast %shift_right_logical3A_353 : i32 to vector<16xi32>
              %shift_right_logical3A_355 = arith.shrui %xor3A_348, %shift_right_logical3A_354 : vector<16xi32>
              %or3A_356 = arith.ori %shift_left3A_352, %shift_right_logical3A_355 : vector<16xi32>
              %xor3A_357 = arith.xori %add3A_349, %or3A_356 : vector<16xi32>
              %add3A_358 = arith.addi %add3A_349, %xor3A_357 : vector<16xi32>
              %shift_left3A_359 = arith.constant 6 : i32
              %shift_left3A_360 = vector.broadcast %shift_left3A_359 : i32 to vector<16xi32>
              %shift_left3A_361 = arith.shli %xor3A_357, %shift_left3A_360 : vector<16xi32>
              %shift_right_logical3A_362 = arith.constant 26 : i32
              %shift_right_logical3A_363 = vector.broadcast %shift_right_logical3A_362 : i32 to vector<16xi32>
              %shift_right_logical3A_364 = arith.shrui %xor3A_357, %shift_right_logical3A_363 : vector<16xi32>
              %or3A_365 = arith.ori %shift_left3A_361, %shift_right_logical3A_364 : vector<16xi32>
              %xor3A_366 = arith.xori %add3A_358, %or3A_365 : vector<16xi32>
              %add3A_367 = arith.addi %add3A_358, %bitcast3A : vector<16xi32>
              %add3A_368 = arith.addi %xor3A_366, %bitcast3A_48 : vector<16xi32>
              %add3A_369 = arith.constant 3 : i32
              %add3A_370 = vector.broadcast %add3A_369 : i32 to vector<16xi32>
              %add3A_371 = arith.addi %add3A_368, %add3A_370 : vector<16xi32>
              %add3A_372 = arith.addi %add3A_367, %add3A_371 : vector<16xi32>
              %shift_left3A_373 = arith.constant 17 : i32
              %shift_left3A_374 = vector.broadcast %shift_left3A_373 : i32 to vector<16xi32>
              %shift_left3A_375 = arith.shli %add3A_371, %shift_left3A_374 : vector<16xi32>
              %shift_right_logical3A_376 = arith.constant 15 : i32
              %shift_right_logical3A_377 = vector.broadcast %shift_right_logical3A_376 : i32 to vector<16xi32>
              %shift_right_logical3A_378 = arith.shrui %add3A_371, %shift_right_logical3A_377 : vector<16xi32>
              %or3A_379 = arith.ori %shift_left3A_375, %shift_right_logical3A_378 : vector<16xi32>
              %xor3A_380 = arith.xori %add3A_372, %or3A_379 : vector<16xi32>
              %add3A_381 = arith.addi %add3A_372, %xor3A_380 : vector<16xi32>
              %shift_left3A_382 = arith.constant 29 : i32
              %shift_left3A_383 = vector.broadcast %shift_left3A_382 : i32 to vector<16xi32>
              %shift_left3A_384 = arith.shli %xor3A_380, %shift_left3A_383 : vector<16xi32>
              %shift_right_logical3A_385 = arith.constant 3 : i32
              %shift_right_logical3A_386 = vector.broadcast %shift_right_logical3A_385 : i32 to vector<16xi32>
              %shift_right_logical3A_387 = arith.shrui %xor3A_380, %shift_right_logical3A_386 : vector<16xi32>
              %or3A_388 = arith.ori %shift_left3A_384, %shift_right_logical3A_387 : vector<16xi32>
              %xor3A_389 = arith.xori %add3A_381, %or3A_388 : vector<16xi32>
              %add3A_390 = arith.addi %add3A_381, %xor3A_389 : vector<16xi32>
              %shift_left3A_391 = arith.constant 16 : i32
              %shift_left3A_392 = vector.broadcast %shift_left3A_391 : i32 to vector<16xi32>
              %shift_left3A_393 = arith.shli %xor3A_389, %shift_left3A_392 : vector<16xi32>
              %shift_right_logical3A_394 = arith.constant 16 : i32
              %shift_right_logical3A_395 = vector.broadcast %shift_right_logical3A_394 : i32 to vector<16xi32>
              %shift_right_logical3A_396 = arith.shrui %xor3A_389, %shift_right_logical3A_395 : vector<16xi32>
              %or3A_397 = arith.ori %shift_left3A_393, %shift_right_logical3A_396 : vector<16xi32>
              %xor3A_398 = arith.xori %add3A_390, %or3A_397 : vector<16xi32>
              %add3A_399 = arith.addi %add3A_390, %xor3A_398 : vector<16xi32>
              %shift_left3A_400 = arith.constant 24 : i32
              %shift_left3A_401 = vector.broadcast %shift_left3A_400 : i32 to vector<16xi32>
              %shift_left3A_402 = arith.shli %xor3A_398, %shift_left3A_401 : vector<16xi32>
              %shift_right_logical3A_403 = arith.constant 8 : i32
              %shift_right_logical3A_404 = vector.broadcast %shift_right_logical3A_403 : i32 to vector<16xi32>
              %shift_right_logical3A_405 = arith.shrui %xor3A_398, %shift_right_logical3A_404 : vector<16xi32>
              %or3A_406 = arith.ori %shift_left3A_402, %shift_right_logical3A_405 : vector<16xi32>
              %xor3A_407 = arith.xori %add3A_399, %or3A_406 : vector<16xi32>
              %add3A_408 = arith.addi %add3A_399, %bitcast3A_48 : vector<16xi32>
              %add3A_409 = arith.addi %xor3A_407, %xor3A_248 : vector<16xi32>
              %add3A_410 = arith.constant 4 : i32
              %add3A_411 = vector.broadcast %add3A_410 : i32 to vector<16xi32>
              %add3A_412 = arith.addi %add3A_409, %add3A_411 : vector<16xi32>
              %add3A_413 = arith.addi %add3A_408, %add3A_412 : vector<16xi32>
              %shift_left3A_414 = arith.constant 13 : i32
              %shift_left3A_415 = vector.broadcast %shift_left3A_414 : i32 to vector<16xi32>
              %shift_left3A_416 = arith.shli %add3A_412, %shift_left3A_415 : vector<16xi32>
              %shift_right_logical3A_417 = arith.constant 19 : i32
              %shift_right_logical3A_418 = vector.broadcast %shift_right_logical3A_417 : i32 to vector<16xi32>
              %shift_right_logical3A_419 = arith.shrui %add3A_412, %shift_right_logical3A_418 : vector<16xi32>
              %or3A_420 = arith.ori %shift_left3A_416, %shift_right_logical3A_419 : vector<16xi32>
              %xor3A_421 = arith.xori %add3A_413, %or3A_420 : vector<16xi32>
              %add3A_422 = arith.addi %add3A_413, %xor3A_421 : vector<16xi32>
              %shift_left3A_423 = arith.constant 15 : i32
              %shift_left3A_424 = vector.broadcast %shift_left3A_423 : i32 to vector<16xi32>
              %shift_left3A_425 = arith.shli %xor3A_421, %shift_left3A_424 : vector<16xi32>
              %shift_right_logical3A_426 = arith.constant 17 : i32
              %shift_right_logical3A_427 = vector.broadcast %shift_right_logical3A_426 : i32 to vector<16xi32>
              %shift_right_logical3A_428 = arith.shrui %xor3A_421, %shift_right_logical3A_427 : vector<16xi32>
              %or3A_429 = arith.ori %shift_left3A_425, %shift_right_logical3A_428 : vector<16xi32>
              %xor3A_430 = arith.xori %add3A_422, %or3A_429 : vector<16xi32>
              %add3A_431 = arith.addi %add3A_422, %xor3A_430 : vector<16xi32>
              %shift_left3A_432 = arith.constant 26 : i32
              %shift_left3A_433 = vector.broadcast %shift_left3A_432 : i32 to vector<16xi32>
              %shift_left3A_434 = arith.shli %xor3A_430, %shift_left3A_433 : vector<16xi32>
              %shift_right_logical3A_435 = arith.constant 6 : i32
              %shift_right_logical3A_436 = vector.broadcast %shift_right_logical3A_435 : i32 to vector<16xi32>
              %shift_right_logical3A_437 = arith.shrui %xor3A_430, %shift_right_logical3A_436 : vector<16xi32>
              %or3A_438 = arith.ori %shift_left3A_434, %shift_right_logical3A_437 : vector<16xi32>
              %xor3A_439 = arith.xori %add3A_431, %or3A_438 : vector<16xi32>
              %add3A_440 = arith.addi %add3A_431, %xor3A_439 : vector<16xi32>
              %shift_left3A_441 = arith.constant 6 : i32
              %shift_left3A_442 = vector.broadcast %shift_left3A_441 : i32 to vector<16xi32>
              %shift_left3A_443 = arith.shli %xor3A_439, %shift_left3A_442 : vector<16xi32>
              %shift_right_logical3A_444 = arith.constant 26 : i32
              %shift_right_logical3A_445 = vector.broadcast %shift_right_logical3A_444 : i32 to vector<16xi32>
              %shift_right_logical3A_446 = arith.shrui %xor3A_439, %shift_right_logical3A_445 : vector<16xi32>
              %or3A_447 = arith.ori %shift_left3A_443, %shift_right_logical3A_446 : vector<16xi32>
              %xor3A_448 = arith.xori %add3A_440, %or3A_447 : vector<16xi32>
              %add3A_449 = arith.addi %add3A_440, %xor3A_248 : vector<16xi32>
              %add3A_450 = arith.addi %xor3A_448, %bitcast3A : vector<16xi32>
              %add3A_451 = arith.constant 5 : i32
              %add3A_452 = vector.broadcast %add3A_451 : i32 to vector<16xi32>
              %add3A_453 = arith.addi %add3A_450, %add3A_452 : vector<16xi32>
              %xor3A_454 = arith.xori %add3A_449, %add3A_453 : vector<16xi32>
              %shift_right_logical3A_455 = arith.constant 9 : i32
              %shift_right_logical3A_456 = vector.broadcast %shift_right_logical3A_455 : i32 to vector<16xi32>
              %shift_right_logical3A_457 = arith.shrui %xor3A_454, %shift_right_logical3A_456 : vector<16xi32>
              %or3A_458 = arith.constant 1065353216 : i32
              %or3A_459 = vector.broadcast %or3A_458 : i32 to vector<16xi32>
              %or3A_460 = arith.ori %shift_right_logical3A_457, %or3A_459 : vector<16xi32>
              %bitcast3A_461 = vector.bitcast %or3A_460 : vector<16xi32> to vector<16xf32>
              %sub3A = arith.constant 1.000000e+00 : f32
              %sub3A_462 = vector.broadcast %sub3A : f32 to vector<16xf32>
              %sub3A_463 = arith.subf %bitcast3A_461, %sub3A_462 : vector<16xf32>
              %add3A_464 = arith.constant 1.17549435E-38 : f32
              %add3A_465 = vector.broadcast %add3A_464 : f32 to vector<16xf32>
              %add3A_466 = arith.addf %sub3A_463, %add3A_465 : vector<16xf32>
              %bitcast3A_467 = vector.bitcast %add3A_466 : vector<16xf32> to vector<16xi32>
              %shift_right_arithmetic3A = arith.constant 23 : i32
              %shift_right_arithmetic3A_468 = vector.broadcast %shift_right_arithmetic3A : i32 to vector<16xi32>
              %shift_right_arithmetic3A_469 = arith.shrsi %bitcast3A_467, %shift_right_arithmetic3A_468 : vector<16xi32>
              %sub3A_470 = arith.constant 127 : i32
              %sub3A_471 = vector.broadcast %sub3A_470 : i32 to vector<16xi32>
              %sub3A_472 = arith.subi %shift_right_arithmetic3A_469, %sub3A_471 : vector<16xi32>
              %and3A = arith.constant 8388607 : i32
              %and3A_473 = vector.broadcast %and3A : i32 to vector<16xi32>
              %and3A_474 = arith.andi %bitcast3A_467, %and3A_473 : vector<16xi32>
              %or3A_475 = arith.constant 1065353216 : i32
              %or3A_476 = vector.broadcast %or3A_475 : i32 to vector<16xi32>
              %or3A_477 = arith.ori %and3A_474, %or3A_476 : vector<16xi32>
              %bitcast3A_478 = vector.bitcast %or3A_477 : vector<16xi32> to vector<16xf32>
              %gt3A_479 = arith.constant 1.41421354 : f32
              %gt3A_480 = vector.broadcast %gt3A_479 : f32 to vector<16xf32>
              %gt3A_481 = arith.cmpf ogt, %bitcast3A_478, %gt3A_480 : vector<16xf32>
              %mul3A_482 = arith.constant 5.000000e-01 : f32
              %mul3A_483 = vector.broadcast %mul3A_482 : f32 to vector<16xf32>
              %mul3A_484 = arith.mulf %bitcast3A_478, %mul3A_483 : vector<16xf32>
              %select_n3A_485 = arith.select %gt3A_481, %mul3A_484, %bitcast3A_478 : vector<16xi1>, vector<16xf32>
              %add3A_486 = arith.constant 1 : i32
              %add3A_487 = vector.broadcast %add3A_486 : i32 to vector<16xi32>
              %add3A_488 = arith.addi %sub3A_472, %add3A_487 : vector<16xi32>
              %select_n3A_489 = arith.select %gt3A_481, %add3A_488, %sub3A_472 : vector<16xi1>, vector<16xi32>
              %convert_element_type3A_490 = arith.sitofp %select_n3A_489 : vector<16xi32> to vector<16xf32>
              %sub3A_491 = arith.constant 1.000000e+00 : f32
              %sub3A_492 = vector.broadcast %sub3A_491 : f32 to vector<16xf32>
              %sub3A_493 = arith.subf %select_n3A_485, %sub3A_492 : vector<16xf32>
              %add3A_494 = arith.constant 1.000000e+00 : f32
              %add3A_495 = vector.broadcast %add3A_494 : f32 to vector<16xf32>
              %add3A_496 = arith.addf %select_n3A_485, %add3A_495 : vector<16xf32>
              %div3A = arith.divf %sub3A_493, %add3A_496 : vector<16xf32>
              %mul3A_497 = arith.mulf %div3A, %div3A : vector<16xf32>
              %mul3A_498 = arith.constant 0.15384616 : f32
              %mul3A_499 = vector.broadcast %mul3A_498 : f32 to vector<16xf32>
              %mul3A_500 = arith.mulf %mul3A_497, %mul3A_499 : vector<16xf32>
              %add3A_501 = arith.constant 0.181818187 : f32
              %add3A_502 = vector.broadcast %add3A_501 : f32 to vector<16xf32>
              %add3A_503 = arith.addf %add3A_502, %mul3A_500 : vector<16xf32>
              %mul3A_504 = arith.mulf %mul3A_497, %add3A_503 : vector<16xf32>
              %add3A_505 = arith.constant 0.222222224 : f32
              %add3A_506 = vector.broadcast %add3A_505 : f32 to vector<16xf32>
              %add3A_507 = arith.addf %add3A_506, %mul3A_504 : vector<16xf32>
              %mul3A_508 = arith.mulf %mul3A_497, %add3A_507 : vector<16xf32>
              %add3A_509 = arith.constant 0.285714298 : f32
              %add3A_510 = vector.broadcast %add3A_509 : f32 to vector<16xf32>
              %add3A_511 = arith.addf %add3A_510, %mul3A_508 : vector<16xf32>
              %mul3A_512 = arith.mulf %mul3A_497, %add3A_511 : vector<16xf32>
              %add3A_513 = arith.constant 4.000000e-01 : f32
              %add3A_514 = vector.broadcast %add3A_513 : f32 to vector<16xf32>
              %add3A_515 = arith.addf %add3A_514, %mul3A_512 : vector<16xf32>
              %mul3A_516 = arith.mulf %mul3A_497, %add3A_515 : vector<16xf32>
              %add3A_517 = arith.constant 0.666666686 : f32
              %add3A_518 = vector.broadcast %add3A_517 : f32 to vector<16xf32>
              %add3A_519 = arith.addf %add3A_518, %mul3A_516 : vector<16xf32>
              %mul3A_520 = arith.mulf %mul3A_497, %add3A_519 : vector<16xf32>
              %mul3A_521 = arith.constant 2.000000e+00 : f32
              %mul3A_522 = vector.broadcast %mul3A_521 : f32 to vector<16xf32>
              %mul3A_523 = arith.mulf %mul3A_522, %div3A : vector<16xf32>
              %mul3A_524 = arith.mulf %div3A, %mul3A_520 : vector<16xf32>
              %add3A_525 = arith.addf %mul3A_523, %mul3A_524 : vector<16xf32>
              %mul3A_526 = arith.constant 0.693138123 : f32
              %mul3A_527 = vector.broadcast %mul3A_526 : f32 to vector<16xf32>
              %mul3A_528 = arith.mulf %convert_element_type3A_490, %mul3A_527 : vector<16xf32>
              %mul3A_529 = arith.constant 9.05800061E-6 : f32
              %mul3A_530 = vector.broadcast %mul3A_529 : f32 to vector<16xf32>
              %mul3A_531 = arith.mulf %convert_element_type3A_490, %mul3A_530 : vector<16xf32>
              %add3A_532 = arith.addf %add3A_525, %mul3A_531 : vector<16xf32>
              %add3A_533 = arith.addf %mul3A_528, %add3A_532 : vector<16xf32>
              %neg3A = arith.constant 0.000000e+00 : f32
              %neg3A_534 = vector.broadcast %neg3A : f32 to vector<16xf32>
              %neg3A_535 = arith.subf %neg3A_534, %add3A_533 : vector<16xf32>
              %div3A_536 = arith.divf %get3A_242, %neg3A_535 : vector<16xf32>
              %bitcast3A_537 = vector.bitcast %div3A_536 : vector<16xf32> to vector<16xi32>
              %shift_right_arithmetic3A_538 = arith.constant 23 : i32
              %shift_right_arithmetic3A_539 = vector.broadcast %shift_right_arithmetic3A_538 : i32 to vector<16xi32>
              %shift_right_arithmetic3A_540 = arith.shrsi %bitcast3A_537, %shift_right_arithmetic3A_539 : vector<16xi32>
              %sub3A_541 = arith.constant 127 : i32
              %sub3A_542 = vector.broadcast %sub3A_541 : i32 to vector<16xi32>
              %sub3A_543 = arith.subi %shift_right_arithmetic3A_540, %sub3A_542 : vector<16xi32>
              %and3A_544 = arith.constant 8388607 : i32
              %and3A_545 = vector.broadcast %and3A_544 : i32 to vector<16xi32>
              %and3A_546 = arith.andi %bitcast3A_537, %and3A_545 : vector<16xi32>
              %or3A_547 = arith.constant 1065353216 : i32
              %or3A_548 = vector.broadcast %or3A_547 : i32 to vector<16xi32>
              %or3A_549 = arith.ori %and3A_546, %or3A_548 : vector<16xi32>
              %bitcast3A_550 = vector.bitcast %or3A_549 : vector<16xi32> to vector<16xf32>
              %gt3A_551 = arith.constant 1.41421354 : f32
              %gt3A_552 = vector.broadcast %gt3A_551 : f32 to vector<16xf32>
              %gt3A_553 = arith.cmpf ogt, %bitcast3A_550, %gt3A_552 : vector<16xf32>
              %mul3A_554 = arith.constant 5.000000e-01 : f32
              %mul3A_555 = vector.broadcast %mul3A_554 : f32 to vector<16xf32>
              %mul3A_556 = arith.mulf %bitcast3A_550, %mul3A_555 : vector<16xf32>
              %select_n3A_557 = arith.select %gt3A_553, %mul3A_556, %bitcast3A_550 : vector<16xi1>, vector<16xf32>
              %add3A_558 = arith.constant 1 : i32
              %add3A_559 = vector.broadcast %add3A_558 : i32 to vector<16xi32>
              %add3A_560 = arith.addi %sub3A_543, %add3A_559 : vector<16xi32>
              %select_n3A_561 = arith.select %gt3A_553, %add3A_560, %sub3A_543 : vector<16xi1>, vector<16xi32>
              %convert_element_type3A_562 = arith.sitofp %select_n3A_561 : vector<16xi32> to vector<16xf32>
              %sub3A_563 = arith.constant 1.000000e+00 : f32
              %sub3A_564 = vector.broadcast %sub3A_563 : f32 to vector<16xf32>
              %sub3A_565 = arith.subf %select_n3A_557, %sub3A_564 : vector<16xf32>
              %add3A_566 = arith.constant 1.000000e+00 : f32
              %add3A_567 = vector.broadcast %add3A_566 : f32 to vector<16xf32>
              %add3A_568 = arith.addf %select_n3A_557, %add3A_567 : vector<16xf32>
              %div3A_569 = arith.divf %sub3A_565, %add3A_568 : vector<16xf32>
              %mul3A_570 = arith.mulf %div3A_569, %div3A_569 : vector<16xf32>
              %mul3A_571 = arith.constant 0.15384616 : f32
              %mul3A_572 = vector.broadcast %mul3A_571 : f32 to vector<16xf32>
              %mul3A_573 = arith.mulf %mul3A_570, %mul3A_572 : vector<16xf32>
              %add3A_574 = arith.constant 0.181818187 : f32
              %add3A_575 = vector.broadcast %add3A_574 : f32 to vector<16xf32>
              %add3A_576 = arith.addf %add3A_575, %mul3A_573 : vector<16xf32>
              %mul3A_577 = arith.mulf %mul3A_570, %add3A_576 : vector<16xf32>
              %add3A_578 = arith.constant 0.222222224 : f32
              %add3A_579 = vector.broadcast %add3A_578 : f32 to vector<16xf32>
              %add3A_580 = arith.addf %add3A_579, %mul3A_577 : vector<16xf32>
              %mul3A_581 = arith.mulf %mul3A_570, %add3A_580 : vector<16xf32>
              %add3A_582 = arith.constant 0.285714298 : f32
              %add3A_583 = vector.broadcast %add3A_582 : f32 to vector<16xf32>
              %add3A_584 = arith.addf %add3A_583, %mul3A_581 : vector<16xf32>
              %mul3A_585 = arith.mulf %mul3A_570, %add3A_584 : vector<16xf32>
              %add3A_586 = arith.constant 4.000000e-01 : f32
              %add3A_587 = vector.broadcast %add3A_586 : f32 to vector<16xf32>
              %add3A_588 = arith.addf %add3A_587, %mul3A_585 : vector<16xf32>
              %mul3A_589 = arith.mulf %mul3A_570, %add3A_588 : vector<16xf32>
              %add3A_590 = arith.constant 0.666666686 : f32
              %add3A_591 = vector.broadcast %add3A_590 : f32 to vector<16xf32>
              %add3A_592 = arith.addf %add3A_591, %mul3A_589 : vector<16xf32>
              %mul3A_593 = arith.mulf %mul3A_570, %add3A_592 : vector<16xf32>
              %mul3A_594 = arith.constant 2.000000e+00 : f32
              %mul3A_595 = vector.broadcast %mul3A_594 : f32 to vector<16xf32>
              %mul3A_596 = arith.mulf %mul3A_595, %div3A_569 : vector<16xf32>
              %mul3A_597 = arith.mulf %div3A_569, %mul3A_593 : vector<16xf32>
              %add3A_598 = arith.addf %mul3A_596, %mul3A_597 : vector<16xf32>
              %mul3A_599 = arith.constant 0.693138123 : f32
              %mul3A_600 = vector.broadcast %mul3A_599 : f32 to vector<16xf32>
              %mul3A_601 = arith.mulf %convert_element_type3A_562, %mul3A_600 : vector<16xf32>
              %mul3A_602 = arith.constant 9.05800061E-6 : f32
              %mul3A_603 = vector.broadcast %mul3A_602 : f32 to vector<16xf32>
              %mul3A_604 = arith.mulf %convert_element_type3A_562, %mul3A_603 : vector<16xf32>
              %add3A_605 = arith.addf %add3A_598, %mul3A_604 : vector<16xf32>
              %add3A_606 = arith.addf %mul3A_601, %add3A_605 : vector<16xf32>
              %select_n3A_607 = arith.select %eq3A_227, %add3A_606, %broadcast_in_dim3A_8 : vector<16xi1>, vector<16xf32>
              %gt3A_608 = arith.cmpf ogt, %select_n3A_607, %scan3A_220 : vector<16xf32>
              %select_n3A_609 = arith.select %gt3A_608, %select_n3A_607, %scan3A_220 : vector<16xi1>, vector<16xf32>
              %select_n3A_610 = arith.select %gt3A_608, %add3A_238, %scan3A_221 : vector<16xi1>, vector<16xi32>
              scf.yield %select_n3A_609, %select_n3A_610 : vector<16xf32>, vector<16xi32>
            } else {
              scf.yield %scan3A_220, %scan3A_221 : vector<16xf32>, vector<16xi32>
            }
            scf.yield %cond3A_236#0, %cond3A_236#1 : vector<16xf32>, vector<16xi32>
          }
          %scan3A_218 = arith.constant 10 : i32
          scf.yield %scan3A_217#0, %scan3A_217#1 : vector<16xf32>, vector<16xi32>
        } else {
          scf.yield %scan3A_146, %scan3A_147 : vector<16xf32>, vector<16xi32>
        }
        scf.yield %cond3A_212#0, %cond3A_212#1 : vector<16xf32>, vector<16xi32>
      }
      %scan3A_54 = arith.constant 125 : i32
      %iota3A_55 = tpu.iota {dimensions = array<i32: 0>} : vector<16xi32>
      %xor3A = arith.constant 8 : i32
      %xor3A_56 = vector.broadcast %xor3A : i32 to vector<16xi32>
      %xor3A_57 = arith.xori %iota3A_55, %xor3A_56 : vector<16xi32>
      %broadcast_in_dim3A_58 = vector.shape_cast %xor3A_57 : vector<16xi32> to vector<16x1xi32>
      %gather3A = vector.shape_cast %broadcast_in_dim3A_58 : vector<16x1xi32> to vector<16xi32>
      %gather3A_59 = tpu.dynamic_gather %scan3A_53#0[%gather3A] in [0] : vector<16xf32>, vector<16xi32> -> vector<16xf32>
      %max3A = arith.maximumf %scan3A_53#0, %gather3A_59 : vector<16xf32>
      %xor3A_60 = arith.constant 4 : i32
      %xor3A_61 = vector.broadcast %xor3A_60 : i32 to vector<16xi32>
      %xor3A_62 = arith.xori %iota3A_55, %xor3A_61 : vector<16xi32>
      %broadcast_in_dim3A_63 = vector.shape_cast %xor3A_62 : vector<16xi32> to vector<16x1xi32>
      %gather3A_64 = vector.shape_cast %broadcast_in_dim3A_63 : vector<16x1xi32> to vector<16xi32>
      %gather3A_65 = tpu.dynamic_gather %max3A[%gather3A_64] in [0] : vector<16xf32>, vector<16xi32> -> vector<16xf32>
      %max3A_66 = arith.maximumf %max3A, %gather3A_65 : vector<16xf32>
      %xor3A_67 = arith.constant 2 : i32
      %xor3A_68 = vector.broadcast %xor3A_67 : i32 to vector<16xi32>
      %xor3A_69 = arith.xori %iota3A_55, %xor3A_68 : vector<16xi32>
      %broadcast_in_dim3A_70 = vector.shape_cast %xor3A_69 : vector<16xi32> to vector<16x1xi32>
      %gather3A_71 = vector.shape_cast %broadcast_in_dim3A_70 : vector<16x1xi32> to vector<16xi32>
      %gather3A_72 = tpu.dynamic_gather %max3A_66[%gather3A_71] in [0] : vector<16xf32>, vector<16xi32> -> vector<16xf32>
      %max3A_73 = arith.maximumf %max3A_66, %gather3A_72 : vector<16xf32>
      %xor3A_74 = arith.constant 1 : i32
      %xor3A_75 = vector.broadcast %xor3A_74 : i32 to vector<16xi32>
      %xor3A_76 = arith.xori %iota3A_55, %xor3A_75 : vector<16xi32>
      %broadcast_in_dim3A_77 = vector.shape_cast %xor3A_76 : vector<16xi32> to vector<16x1xi32>
      %gather3A_78 = vector.shape_cast %broadcast_in_dim3A_77 : vector<16x1xi32> to vector<16xi32>
      %gather3A_79 = tpu.dynamic_gather %max3A_73[%gather3A_78] in [0] : vector<16xf32>, vector<16xi32> -> vector<16xf32>
      %max3A_80 = arith.maximumf %max3A_73, %gather3A_79 : vector<16xf32>
      %eq3A_81 = arith.cmpf oeq, %scan3A_53#0, %max3A_80 : vector<16xf32>
      %all_reduce_ffs3A = tpu.all_reduce %eq3A_81 {dim = 0 : i64, kind = #tpu.reduction_kind<find_first_set>} : vector<16xi1> -> vector<16xi32>
      %broadcast_in_dim3A_82 = vector.shape_cast %all_reduce_ffs3A : vector<16xi32> to vector<16x1xi32>
      %gather3A_83 = vector.shape_cast %broadcast_in_dim3A_82 : vector<16x1xi32> to vector<16xi32>
      %gather3A_84 = tpu.dynamic_gather %scan3A_53#1[%gather3A_83] in [0] : vector<16xi32>, vector<16xi32> -> vector<16xi32>
      %gather3A_85 = tpu.vector_load_idx %arg18[%gather3A_84] : memref<20000xi32, #tpu.memory_space<vmem>>[vector<16xi32>], vector<16xi32>,
      %bitcast3A_86 = vector.bitcast %max3A_80 : vector<16xf32> to vector<16xi32>
      %eq3A_87 = arith.constant 0 : i32
      %eq3A_88 = vector.broadcast %eq3A_87 : i32 to vector<16xi32>
      %eq3A_89 = arith.cmpi eq, %iota3A, %eq3A_88 : vector<16xi32>
      %eq3A_90 = arith.constant 1 : i32
      %eq3A_91 = vector.broadcast %eq3A_90 : i32 to vector<16xi32>
      %eq3A_92 = arith.cmpi eq, %iota3A, %eq3A_91 : vector<16xi32>
      %jit3A_93 = arith.constant 0 : i32
      %broadcast_in_dim3A_94 = vector.broadcast %jit3A_93 : i32 to vector<16xi32>
      %select_n3A_95 = arith.select %eq3A_92, %gather3A_85, %broadcast_in_dim3A_94 : vector<16xi1>, vector<16xi32>
      %select_n3A_96 = arith.select %eq3A_89, %bitcast3A_86, %select_n3A_95 : vector<16xi1>, vector<16xi32>
      %swap3A_97 = arith.constant 0 : index
      %swap3A_98 = tpu.vector_load %arg23[%swap3A_97] {strides = array<i32>} : memref<16xi32, #tpu.memory_space<vmem>>, vector<16xi32>,
      tpu.vector_store %arg23[%swap3A_97], %select_n3A_96 {strides = array<i32>} : memref<16xi32, #tpu.memory_space<vmem>>, vector<16xi32>,
      "tpu.region"() ({
        %run_scoped3A = tpu.sem_alloc : memref<!tpu.dma_semaphore, #tpu.memory_space<semaphore_mem>>
        %dma_start3A = arith.constant 0 : i32
        %dma_start3A_145 = tpu.memref_slice %arg16[%arg0, %arg1, %dma_start3A] : memref<2x16x16xi32, #tpu.memory_space<hbm>> -> memref<1x1x16xi32, #tpu.memory_space<hbm>>
        %dma_start3A_146 = tpu.memref_squeeze %dma_start3A_145 : memref<1x1x16xi32, #tpu.memory_space<hbm>> -> memref<16xi32, #tpu.memory_space<hbm>>
        %dma_start3A_147 = arith.constant 0 : i32
        %dma_start3A_148 = tpu.memref_slice %arg16[%arg0, %arg1, %dma_start3A_147] : memref<2x16x16xi32, #tpu.memory_space<hbm>> -> memref<1x1x16xi32, #tpu.memory_space<hbm>>
        %dma_start3A_149 = tpu.memref_squeeze %dma_start3A_148 : memref<1x1x16xi32, #tpu.memory_space<hbm>> -> memref<16xi32, #tpu.memory_space<hbm>>
        tpu.enqueue_dma source(%arg23 : memref<16xi32, #tpu.memory_space<vmem>>) target(%dma_start3A_149 : memref<16xi32, #tpu.memory_space<hbm>>) target_semaphore(%run_scoped3A : memref<!tpu.dma_semaphore, #tpu.memory_space<semaphore_mem>>)
        %dma_wait3A = arith.constant 0 : i32
        %dma_wait3A_150 = tpu.memref_slice %arg16[%arg0, %arg1, %dma_wait3A] : memref<2x16x16xi32, #tpu.memory_space<hbm>> -> memref<1x1x16xi32, #tpu.memory_space<hbm>>
        %dma_wait3A_151 = tpu.memref_squeeze %dma_wait3A_150 : memref<1x1x16xi32, #tpu.memory_space<hbm>> -> memref<16xi32, #tpu.memory_space<hbm>>
        %dma_wait3A_152 = arith.constant 0 : i32
        %dma_wait3A_153 = tpu.memref_slice %arg16[%arg0, %arg1, %dma_wait3A_152] : memref<2x16x16xi32, #tpu.memory_space<hbm>> -> memref<1x1x16xi32, #tpu.memory_space<hbm>>
        %dma_wait3A_154 = tpu.memref_squeeze %dma_wait3A_153 : memref<1x1x16xi32, #tpu.memory_space<hbm>> -> memref<16xi32, #tpu.memory_space<hbm>>
        tpu.wait_dma2 semaphore(%run_scoped3A : memref<!tpu.dma_semaphore, #tpu.memory_space<semaphore_mem>>) src(%arg23 : memref<16xi32, #tpu.memory_space<vmem>>) dst(%dma_wait3A_154 : memref<16xi32, #tpu.memory_space<hbm>>)
        tpu.yield
      }) : () -> ()
      %barrier3A = arith.constant 0 : index
      tpu.barrier barrier_id(%barrier3A)
      "tpu.region"() ({
        %run_scoped3A = tpu.sem_alloc : memref<!tpu.dma_semaphore, #tpu.memory_space<semaphore_mem>>
        %dma_start3A = arith.constant 0 : i32
        %dma_start3A_145 = arith.constant 0 : i32
        %dma_start3A_146 = tpu.memref_slice %arg16[%arg0, %dma_start3A, %dma_start3A_145] : memref<2x16x16xi32, #tpu.memory_space<hbm>> -> memref<1x16x16xi32, #tpu.memory_space<hbm>>
        %dma_start3A_147 = tpu.memref_squeeze %dma_start3A_146 : memref<1x16x16xi32, #tpu.memory_space<hbm>> -> memref<16x16xi32, #tpu.memory_space<hbm>>
        %dma_start3A_148 = arith.constant 0 : i32
        %dma_start3A_149 = arith.constant 0 : i32
        %dma_start3A_150 = tpu.memref_slice %arg16[%arg0, %dma_start3A_148, %dma_start3A_149] : memref<2x16x16xi32, #tpu.memory_space<hbm>> -> memref<1x16x16xi32, #tpu.memory_space<hbm>>
        %dma_start3A_151 = tpu.memref_squeeze %dma_start3A_150 : memref<1x16x16xi32, #tpu.memory_space<hbm>> -> memref<16x16xi32, #tpu.memory_space<hbm>>
        tpu.enqueue_dma source(%dma_start3A_151 : memref<16x16xi32, #tpu.memory_space<hbm>>) target(%arg24 : memref<16x16xi32, #tpu.memory_space<vmem>>) target_semaphore(%run_scoped3A : memref<!tpu.dma_semaphore, #tpu.memory_space<semaphore_mem>>)
        %dma_wait3A = arith.constant 0 : i32
        %dma_wait3A_152 = arith.constant 0 : i32
        %dma_wait3A_153 = tpu.memref_slice %arg16[%arg0, %dma_wait3A, %dma_wait3A_152] : memref<2x16x16xi32, #tpu.memory_space<hbm>> -> memref<1x16x16xi32, #tpu.memory_space<hbm>>
        %dma_wait3A_154 = tpu.memref_squeeze %dma_wait3A_153 : memref<1x16x16xi32, #tpu.memory_space<hbm>> -> memref<16x16xi32, #tpu.memory_space<hbm>>
        %dma_wait3A_155 = arith.constant 0 : i32
        %dma_wait3A_156 = arith.constant 0 : i32
        %dma_wait3A_157 = tpu.memref_slice %arg16[%arg0, %dma_wait3A_155, %dma_wait3A_156] : memref<2x16x16xi32, #tpu.memory_space<hbm>> -> memref<1x16x16xi32, #tpu.memory_space<hbm>>
        %dma_wait3A_158 = tpu.memref_squeeze %dma_wait3A_157 : memref<1x16x16xi32, #tpu.memory_space<hbm>> -> memref<16x16xi32, #tpu.memory_space<hbm>>
        tpu.wait_dma2 semaphore(%run_scoped3A : memref<!tpu.dma_semaphore, #tpu.memory_space<semaphore_mem>>) src(%dma_wait3A_158 : memref<16x16xi32, #tpu.memory_space<hbm>>) dst(%arg24 : memref<16x16xi32, #tpu.memory_space<vmem>>)
        tpu.yield
      }) : () -> ()
      %gather3A_99 = tpu.vector_load_idx %arg24[%iota3A, %broadcast_in_dim3A_10] : memref<16x16xi32, #tpu.memory_space<vmem>>[vector<16xi32>, vector<16xi32>], vector<16xi32>,
      %bitcast3A_100 = vector.bitcast %gather3A_99 : vector<16xi32> to vector<16xf32>
      %add3A_101 = arith.constant 1 : i32
      %add3A_102 = vector.broadcast %add3A_101 : i32 to vector<16xi32>
      %add3A_103 = arith.addi %broadcast_in_dim3A_10, %add3A_102 : vector<16xi32>
      %gather3A_104 = tpu.vector_load_idx %arg24[%iota3A, %add3A_103] : memref<16x16xi32, #tpu.memory_space<vmem>>[vector<16xi32>, vector<16xi32>], vector<16xi32>,
      %iota3A_105 = tpu.iota {dimensions = array<i32: 0>} : vector<16xi32>
      %xor3A_106 = arith.constant 8 : i32
      %xor3A_107 = vector.broadcast %xor3A_106 : i32 to vector<16xi32>
      %xor3A_108 = arith.xori %iota3A_105, %xor3A_107 : vector<16xi32>
      %broadcast_in_dim3A_109 = vector.shape_cast %xor3A_108 : vector<16xi32> to vector<16x1xi32>
      %gather3A_110 = vector.shape_cast %broadcast_in_dim3A_109 : vector<16x1xi32> to vector<16xi32>
      %gather3A_111 = tpu.dynamic_gather %bitcast3A_100[%gather3A_110] in [0] : vector<16xf32>, vector<16xi32> -> vector<16xf32>
      %max3A_112 = arith.maximumf %bitcast3A_100, %gather3A_111 : vector<16xf32>
      %xor3A_113 = arith.constant 4 : i32
      %xor3A_114 = vector.broadcast %xor3A_113 : i32 to vector<16xi32>
      %xor3A_115 = arith.xori %iota3A_105, %xor3A_114 : vector<16xi32>
      %broadcast_in_dim3A_116 = vector.shape_cast %xor3A_115 : vector<16xi32> to vector<16x1xi32>
      %gather3A_117 = vector.shape_cast %broadcast_in_dim3A_116 : vector<16x1xi32> to vector<16xi32>
      %gather3A_118 = tpu.dynamic_gather %max3A_112[%gather3A_117] in [0] : vector<16xf32>, vector<16xi32> -> vector<16xf32>
      %max3A_119 = arith.maximumf %max3A_112, %gather3A_118 : vector<16xf32>
      %xor3A_120 = arith.constant 2 : i32
      %xor3A_121 = vector.broadcast %xor3A_120 : i32 to vector<16xi32>
      %xor3A_122 = arith.xori %iota3A_105, %xor3A_121 : vector<16xi32>
      %broadcast_in_dim3A_123 = vector.shape_cast %xor3A_122 : vector<16xi32> to vector<16x1xi32>
      %gather3A_124 = vector.shape_cast %broadcast_in_dim3A_123 : vector<16x1xi32> to vector<16xi32>
      %gather3A_125 = tpu.dynamic_gather %max3A_119[%gather3A_124] in [0] : vector<16xf32>, vector<16xi32> -> vector<16xf32>
      %max3A_126 = arith.maximumf %max3A_119, %gather3A_125 : vector<16xf32>
      %xor3A_127 = arith.constant 1 : i32
      %xor3A_128 = vector.broadcast %xor3A_127 : i32 to vector<16xi32>
      %xor3A_129 = arith.xori %iota3A_105, %xor3A_128 : vector<16xi32>
      %broadcast_in_dim3A_130 = vector.shape_cast %xor3A_129 : vector<16xi32> to vector<16x1xi32>
      %gather3A_131 = vector.shape_cast %broadcast_in_dim3A_130 : vector<16x1xi32> to vector<16xi32>
      %gather3A_132 = tpu.dynamic_gather %max3A_126[%gather3A_131] in [0] : vector<16xf32>, vector<16xi32> -> vector<16xf32>
      %max3A_133 = arith.maximumf %max3A_126, %gather3A_132 : vector<16xf32>
      %eq3A_134 = arith.cmpf oeq, %bitcast3A_100, %max3A_133 : vector<16xf32>
      %all_reduce_ffs3A_135 = tpu.all_reduce %eq3A_134 {dim = 0 : i64, kind = #tpu.reduction_kind<find_first_set>} : vector<16xi1> -> vector<16xi32>
      %broadcast_in_dim3A_136 = vector.shape_cast %all_reduce_ffs3A_135 : vector<16xi32> to vector<16x1xi32>
      %gather3A_137 = vector.shape_cast %broadcast_in_dim3A_136 : vector<16x1xi32> to vector<16xi32>
      %gather3A_138 = tpu.dynamic_gather %gather3A_104[%gather3A_137] in [0] : vector<16xi32>, vector<16xi32> -> vector<16xi32>
      %add3A_139 = arith.constant 1 : i32
      %add3A_140 = arith.addi %scan3A_32, %add3A_139 : i32
      %eq3A_141 = vector.broadcast %add3A_140 : i32 to vector<16xi32>
      %eq3A_142 = arith.cmpi eq, %iota3A, %eq3A_141 : vector<16xi32>
      %select_n3A_143 = arith.select %eq3A_142, %gather3A_138, %scan3A_34 : vector<16xi1>, vector<16xi32>
      %barrier3A_144 = arith.constant 0 : index
      tpu.barrier barrier_id(%barrier3A_144)
      scf.yield %gather3A_138, %select_n3A_143 : vector<16xi32>, vector<16xi32>
    }
    %scan3A_20 = arith.constant 5 : i32
    %lt3A = arith.constant 6 : i32
    %lt3A_21 = vector.broadcast %lt3A : i32 to vector<16xi32>
    %lt3A_22 = arith.cmpi slt, %iota3A, %lt3A_21 : vector<16xi32>
    %jit3A_23 = arith.constant 0 : i32
    %broadcast_in_dim3A_24 = vector.broadcast %jit3A_23 : i32 to vector<16xi32>
    %select_n3A_25 = arith.select %lt3A_22, %scan3A_19#1, %broadcast_in_dim3A_24 : vector<16xi1>, vector<16xi32>
    %swap3A = arith.constant 0 : index
    %swap3A_26 = tpu.vector_load %arg26[%swap3A] {strides = array<i32>} : memref<16xi32, #tpu.memory_space<vmem>>, vector<16xi32>,
    tpu.vector_store %arg26[%swap3A], %select_n3A_25 {strides = array<i32>} : memref<16xi32, #tpu.memory_space<vmem>>, vector<16xi32>,
    %eq3A_27 = arith.constant 0 : i32
    %eq3A_28 = arith.cmpi eq, %arg1, %eq3A_27 : i32
    %convert_element_type3A_29 = arith.extui %eq3A_28 : i1 to i32
    %cond3A_30 = arith.constant 0 : i32
    %cond3A_31 = arith.cmpi ne, %convert_element_type3A_29, %cond3A_30 : i32
    scf.if %cond3A_31 {
      %eq3A_32 = arith.constant 0 : i32
      %eq3A_33 = arith.cmpi eq, %arg0, %eq3A_32 : i32
      %convert_element_type3A_34 = arith.extui %eq3A_33 : i1 to i32
      %cond3A_35 = arith.constant 0 : i32
      %cond3A_36 = arith.cmpi ne, %convert_element_type3A_34, %cond3A_35 : i32
      scf.if %cond3A_36 {
        %dma_start3A = arith.constant 0 : i32
        %dma_start3A_42 = arith.constant 0 : i32
        %dma_start3A_43 = tpu.memref_slice %arg6[%dma_start3A, %dma_start3A_42] : memref<10000x128xf32, #tpu.memory_space<hbm>> -> memref<10000x128xf32, #tpu.memory_space<hbm>>
        tpu.enqueue_indirect_dma source(%dma_start3A_43 : memref<10000x128xf32, #tpu.memory_space<hbm>>) target(%arg25 : memref<16x128xf32, #tpu.memory_space<vmem>>) offsets(%arg26 : memref<16xi32, #tpu.memory_space<vmem>>) semaphore(%arg29 : memref<!tpu.dma_semaphore, #tpu.memory_space<semaphore_mem>>)
        %dma_wait3A = arith.constant 0 : i32
        %dma_wait3A_44 = arith.constant 0 : i32
        %dma_wait3A_45 = tpu.memref_slice %arg6[%dma_wait3A, %dma_wait3A_44] : memref<10000x128xf32, #tpu.memory_space<hbm>> -> memref<10000x128xf32, #tpu.memory_space<hbm>>
        tpu.wait_indirect_dma semaphore(%arg29 : memref<!tpu.dma_semaphore, #tpu.memory_space<semaphore_mem>>) src(%dma_wait3A_45 : memref<10000x128xf32, #tpu.memory_space<hbm>>) dst(%arg25 : memref<16x128xf32, #tpu.memory_space<vmem>>)
        %get3A_46 = arith.constant 0 : i32
        %get3A_47 = arith.index_cast %get3A_46 : i32 to index
        %get3A_48 = arith.constant 0 : index
        %get3A_49 = tpu.vector_load %arg25[%get3A_47, %get3A_48] {strides = array<i32>} : memref<16x128xf32, #tpu.memory_space<vmem>>, vector<16xf32>,
        %get3A_50 = arith.constant 1 : i32
        %get3A_51 = arith.index_cast %get3A_50 : i32 to index
        %get3A_52 = arith.constant 0 : index
        %get3A_53 = tpu.vector_load %arg25[%get3A_51, %get3A_52] {strides = array<i32>} : memref<16x128xf32, #tpu.memory_space<vmem>>, vector<16xf32>,
        %add3A = arith.addf %get3A_49, %get3A_53 : vector<16xf32>
        %get3A_54 = arith.constant 2 : i32
        %get3A_55 = arith.index_cast %get3A_54 : i32 to index
        %get3A_56 = arith.constant 0 : index
        %get3A_57 = tpu.vector_load %arg25[%get3A_55, %get3A_56] {strides = array<i32>} : memref<16x128xf32, #tpu.memory_space<vmem>>, vector<16xf32>,
        %add3A_58 = arith.addf %add3A, %get3A_57 : vector<16xf32>
        %get3A_59 = arith.constant 3 : i32
        %get3A_60 = arith.index_cast %get3A_59 : i32 to index
        %get3A_61 = arith.constant 0 : index
        %get3A_62 = tpu.vector_load %arg25[%get3A_60, %get3A_61] {strides = array<i32>} : memref<16x128xf32, #tpu.memory_space<vmem>>, vector<16xf32>,
        %add3A_63 = arith.addf %add3A_58, %get3A_62 : vector<16xf32>
        %get3A_64 = arith.constant 4 : i32
        %get3A_65 = arith.index_cast %get3A_64 : i32 to index
        %get3A_66 = arith.constant 0 : index
        %get3A_67 = tpu.vector_load %arg25[%get3A_65, %get3A_66] {strides = array<i32>} : memref<16x128xf32, #tpu.memory_space<vmem>>, vector<16xf32>,
        %add3A_68 = arith.addf %add3A_63, %get3A_67 : vector<16xf32>
        %get3A_69 = arith.constant 5 : i32
        %get3A_70 = arith.index_cast %get3A_69 : i32 to index
        %get3A_71 = arith.constant 0 : index
        %get3A_72 = tpu.vector_load %arg25[%get3A_70, %get3A_71] {strides = array<i32>} : memref<16x128xf32, #tpu.memory_space<vmem>>, vector<16xf32>,
        %add3A_73 = arith.addf %add3A_68, %get3A_72 : vector<16xf32>
        %swap3A_74 = arith.constant 0 : index
        %swap3A_75 = tpu.vector_load %arg27[%swap3A_74] {strides = array<i32>} : memref<128xf32, #tpu.memory_space<vmem>>, vector<16xf32>,
        tpu.vector_store %arg27[%swap3A_74], %add3A_73 {strides = array<i32>} : memref<128xf32, #tpu.memory_space<vmem>>, vector<16xf32>,
        %get3A_76 = arith.constant 0 : i32
        %get3A_77 = arith.index_cast %get3A_76 : i32 to index
        %get3A_78 = arith.constant 16 : index
        %get3A_79 = tpu.vector_load %arg25[%get3A_77, %get3A_78] {strides = array<i32>} : memref<16x128xf32, #tpu.memory_space<vmem>>, vector<16xf32>,
        %get3A_80 = arith.constant 1 : i32
        %get3A_81 = arith.index_cast %get3A_80 : i32 to index
        %get3A_82 = arith.constant 16 : index
        %get3A_83 = tpu.vector_load %arg25[%get3A_81, %get3A_82] {strides = array<i32>} : memref<16x128xf32, #tpu.memory_space<vmem>>, vector<16xf32>,
        %add3A_84 = arith.addf %get3A_79, %get3A_83 : vector<16xf32>
        %get3A_85 = arith.constant 2 : i32
        %get3A_86 = arith.index_cast %get3A_85 : i32 to index
        %get3A_87 = arith.constant 16 : index
        %get3A_88 = tpu.vector_load %arg25[%get3A_86, %get3A_87] {strides = array<i32>} : memref<16x128xf32, #tpu.memory_space<vmem>>, vector<16xf32>,
        %add3A_89 = arith.addf %add3A_84, %get3A_88 : vector<16xf32>
        %get3A_90 = arith.constant 3 : i32
        %get3A_91 = arith.index_cast %get3A_90 : i32 to index
        %get3A_92 = arith.constant 16 : index
        %get3A_93 = tpu.vector_load %arg25[%get3A_91, %get3A_92] {strides = array<i32>} : memref<16x128xf32, #tpu.memory_space<vmem>>, vector<16xf32>,
        %add3A_94 = arith.addf %add3A_89, %get3A_93 : vector<16xf32>
        %get3A_95 = arith.constant 4 : i32
        %get3A_96 = arith.index_cast %get3A_95 : i32 to index
        %get3A_97 = arith.constant 16 : index
        %get3A_98 = tpu.vector_load %arg25[%get3A_96, %get3A_97] {strides = array<i32>} : memref<16x128xf32, #tpu.memory_space<vmem>>, vector<16xf32>,
        %add3A_99 = arith.addf %add3A_94, %get3A_98 : vector<16xf32>
        %get3A_100 = arith.constant 5 : i32
        %get3A_101 = arith.index_cast %get3A_100 : i32 to index
        %get3A_102 = arith.constant 16 : index
        %get3A_103 = tpu.vector_load %arg25[%get3A_101, %get3A_102] {strides = array<i32>} : memref<16x128xf32, #tpu.memory_space<vmem>>, vector<16xf32>,
        %add3A_104 = arith.addf %add3A_99, %get3A_103 : vector<16xf32>
        %swap3A_105 = arith.constant 16 : index
        %swap3A_106 = tpu.vector_load %arg27[%swap3A_105] {strides = array<i32>} : memref<128xf32, #tpu.memory_space<vmem>>, vector<16xf32>,
        tpu.vector_store %arg27[%swap3A_105], %add3A_104 {strides = array<i32>} : memref<128xf32, #tpu.memory_space<vmem>>, vector<16xf32>,
        %get3A_107 = arith.constant 0 : i32
        %get3A_108 = arith.index_cast %get3A_107 : i32 to index
        %get3A_109 = arith.constant 32 : index
        %get3A_110 = tpu.vector_load %arg25[%get3A_108, %get3A_109] {strides = array<i32>} : memref<16x128xf32, #tpu.memory_space<vmem>>, vector<16xf32>,
        %get3A_111 = arith.constant 1 : i32
        %get3A_112 = arith.index_cast %get3A_111 : i32 to index
        %get3A_113 = arith.constant 32 : index
        %get3A_114 = tpu.vector_load %arg25[%get3A_112, %get3A_113] {strides = array<i32>} : memref<16x128xf32, #tpu.memory_space<vmem>>, vector<16xf32>,
        %add3A_115 = arith.addf %get3A_110, %get3A_114 : vector<16xf32>
        %get3A_116 = arith.constant 2 : i32
        %get3A_117 = arith.index_cast %get3A_116 : i32 to index
        %get3A_118 = arith.constant 32 : index
        %get3A_119 = tpu.vector_load %arg25[%get3A_117, %get3A_118] {strides = array<i32>} : memref<16x128xf32, #tpu.memory_space<vmem>>, vector<16xf32>,
        %add3A_120 = arith.addf %add3A_115, %get3A_119 : vector<16xf32>
        %get3A_121 = arith.constant 3 : i32
        %get3A_122 = arith.index_cast %get3A_121 : i32 to index
        %get3A_123 = arith.constant 32 : index
        %get3A_124 = tpu.vector_load %arg25[%get3A_122, %get3A_123] {strides = array<i32>} : memref<16x128xf32, #tpu.memory_space<vmem>>, vector<16xf32>,
        %add3A_125 = arith.addf %add3A_120, %get3A_124 : vector<16xf32>
        %get3A_126 = arith.constant 4 : i32
        %get3A_127 = arith.index_cast %get3A_126 : i32 to index
        %get3A_128 = arith.constant 32 : index
        %get3A_129 = tpu.vector_load %arg25[%get3A_127, %get3A_128] {strides = array<i32>} : memref<16x128xf32, #tpu.memory_space<vmem>>, vector<16xf32>,
        %add3A_130 = arith.addf %add3A_125, %get3A_129 : vector<16xf32>
        %get3A_131 = arith.constant 5 : i32
        %get3A_132 = arith.index_cast %get3A_131 : i32 to index
        %get3A_133 = arith.constant 32 : index
        %get3A_134 = tpu.vector_load %arg25[%get3A_132, %get3A_133] {strides = array<i32>} : memref<16x128xf32, #tpu.memory_space<vmem>>, vector<16xf32>,
        %add3A_135 = arith.addf %add3A_130, %get3A_134 : vector<16xf32>
        %swap3A_136 = arith.constant 32 : index
        %swap3A_137 = tpu.vector_load %arg27[%swap3A_136] {strides = array<i32>} : memref<128xf32, #tpu.memory_space<vmem>>, vector<16xf32>,
        tpu.vector_store %arg27[%swap3A_136], %add3A_135 {strides = array<i32>} : memref<128xf32, #tpu.memory_space<vmem>>, vector<16xf32>,
        %get3A_138 = arith.constant 0 : i32
        %get3A_139 = arith.index_cast %get3A_138 : i32 to index
        %get3A_140 = arith.constant 48 : index
        %get3A_141 = tpu.vector_load %arg25[%get3A_139, %get3A_140] {strides = array<i32>} : memref<16x128xf32, #tpu.memory_space<vmem>>, vector<16xf32>,
        %get3A_142 = arith.constant 1 : i32
        %get3A_143 = arith.index_cast %get3A_142 : i32 to index
        %get3A_144 = arith.constant 48 : index
        %get3A_145 = tpu.vector_load %arg25[%get3A_143, %get3A_144] {strides = array<i32>} : memref<16x128xf32, #tpu.memory_space<vmem>>, vector<16xf32>,
        %add3A_146 = arith.addf %get3A_141, %get3A_145 : vector<16xf32>
        %get3A_147 = arith.constant 2 : i32
        %get3A_148 = arith.index_cast %get3A_147 : i32 to index
        %get3A_149 = arith.constant 48 : index
        %get3A_150 = tpu.vector_load %arg25[%get3A_148, %get3A_149] {strides = array<i32>} : memref<16x128xf32, #tpu.memory_space<vmem>>, vector<16xf32>,
        %add3A_151 = arith.addf %add3A_146, %get3A_150 : vector<16xf32>
        %get3A_152 = arith.constant 3 : i32
        %get3A_153 = arith.index_cast %get3A_152 : i32 to index
        %get3A_154 = arith.constant 48 : index
        %get3A_155 = tpu.vector_load %arg25[%get3A_153, %get3A_154] {strides = array<i32>} : memref<16x128xf32, #tpu.memory_space<vmem>>, vector<16xf32>,
        %add3A_156 = arith.addf %add3A_151, %get3A_155 : vector<16xf32>
        %get3A_157 = arith.constant 4 : i32
        %get3A_158 = arith.index_cast %get3A_157 : i32 to index
        %get3A_159 = arith.constant 48 : index
        %get3A_160 = tpu.vector_load %arg25[%get3A_158, %get3A_159] {strides = array<i32>} : memref<16x128xf32, #tpu.memory_space<vmem>>, vector<16xf32>,
        %add3A_161 = arith.addf %add3A_156, %get3A_160 : vector<16xf32>
        %get3A_162 = arith.constant 5 : i32
        %get3A_163 = arith.index_cast %get3A_162 : i32 to index
        %get3A_164 = arith.constant 48 : index
        %get3A_165 = tpu.vector_load %arg25[%get3A_163, %get3A_164] {strides = array<i32>} : memref<16x128xf32, #tpu.memory_space<vmem>>, vector<16xf32>,
        %add3A_166 = arith.addf %add3A_161, %get3A_165 : vector<16xf32>
        %swap3A_167 = arith.constant 48 : index
        %swap3A_168 = tpu.vector_load %arg27[%swap3A_167] {strides = array<i32>} : memref<128xf32, #tpu.memory_space<vmem>>, vector<16xf32>,
        tpu.vector_store %arg27[%swap3A_167], %add3A_166 {strides = array<i32>} : memref<128xf32, #tpu.memory_space<vmem>>, vector<16xf32>,
        %get3A_169 = arith.constant 0 : i32
        %get3A_170 = arith.index_cast %get3A_169 : i32 to index
        %get3A_171 = arith.constant 64 : index
        %get3A_172 = tpu.vector_load %arg25[%get3A_170, %get3A_171] {strides = array<i32>} : memref<16x128xf32, #tpu.memory_space<vmem>>, vector<16xf32>,
        %get3A_173 = arith.constant 1 : i32
        %get3A_174 = arith.index_cast %get3A_173 : i32 to index
        %get3A_175 = arith.constant 64 : index
        %get3A_176 = tpu.vector_load %arg25[%get3A_174, %get3A_175] {strides = array<i32>} : memref<16x128xf32, #tpu.memory_space<vmem>>, vector<16xf32>,
        %add3A_177 = arith.addf %get3A_172, %get3A_176 : vector<16xf32>
        %get3A_178 = arith.constant 2 : i32
        %get3A_179 = arith.index_cast %get3A_178 : i32 to index
        %get3A_180 = arith.constant 64 : index
        %get3A_181 = tpu.vector_load %arg25[%get3A_179, %get3A_180] {strides = array<i32>} : memref<16x128xf32, #tpu.memory_space<vmem>>, vector<16xf32>,
        %add3A_182 = arith.addf %add3A_177, %get3A_181 : vector<16xf32>
        %get3A_183 = arith.constant 3 : i32
        %get3A_184 = arith.index_cast %get3A_183 : i32 to index
        %get3A_185 = arith.constant 64 : index
        %get3A_186 = tpu.vector_load %arg25[%get3A_184, %get3A_185] {strides = array<i32>} : memref<16x128xf32, #tpu.memory_space<vmem>>, vector<16xf32>,
        %add3A_187 = arith.addf %add3A_182, %get3A_186 : vector<16xf32>
        %get3A_188 = arith.constant 4 : i32
        %get3A_189 = arith.index_cast %get3A_188 : i32 to index
        %get3A_190 = arith.constant 64 : index
        %get3A_191 = tpu.vector_load %arg25[%get3A_189, %get3A_190] {strides = array<i32>} : memref<16x128xf32, #tpu.memory_space<vmem>>, vector<16xf32>,
        %add3A_192 = arith.addf %add3A_187, %get3A_191 : vector<16xf32>
        %get3A_193 = arith.constant 5 : i32
        %get3A_194 = arith.index_cast %get3A_193 : i32 to index
        %get3A_195 = arith.constant 64 : index
        %get3A_196 = tpu.vector_load %arg25[%get3A_194, %get3A_195] {strides = array<i32>} : memref<16x128xf32, #tpu.memory_space<vmem>>, vector<16xf32>,
        %add3A_197 = arith.addf %add3A_192, %get3A_196 : vector<16xf32>
        %swap3A_198 = arith.constant 64 : index
        %swap3A_199 = tpu.vector_load %arg27[%swap3A_198] {strides = array<i32>} : memref<128xf32, #tpu.memory_space<vmem>>, vector<16xf32>,
        tpu.vector_store %arg27[%swap3A_198], %add3A_197 {strides = array<i32>} : memref<128xf32, #tpu.memory_space<vmem>>, vector<16xf32>,
        %get3A_200 = arith.constant 0 : i32
        %get3A_201 = arith.index_cast %get3A_200 : i32 to index
        %get3A_202 = arith.constant 80 : index
        %get3A_203 = tpu.vector_load %arg25[%get3A_201, %get3A_202] {strides = array<i32>} : memref<16x128xf32, #tpu.memory_space<vmem>>, vector<16xf32>,
        %get3A_204 = arith.constant 1 : i32
        %get3A_205 = arith.index_cast %get3A_204 : i32 to index
        %get3A_206 = arith.constant 80 : index
        %get3A_207 = tpu.vector_load %arg25[%get3A_205, %get3A_206] {strides = array<i32>} : memref<16x128xf32, #tpu.memory_space<vmem>>, vector<16xf32>,
        %add3A_208 = arith.addf %get3A_203, %get3A_207 : vector<16xf32>
        %get3A_209 = arith.constant 2 : i32
        %get3A_210 = arith.index_cast %get3A_209 : i32 to index
        %get3A_211 = arith.constant 80 : index
        %get3A_212 = tpu.vector_load %arg25[%get3A_210, %get3A_211] {strides = array<i32>} : memref<16x128xf32, #tpu.memory_space<vmem>>, vector<16xf32>,
        %add3A_213 = arith.addf %add3A_208, %get3A_212 : vector<16xf32>
        %get3A_214 = arith.constant 3 : i32
        %get3A_215 = arith.index_cast %get3A_214 : i32 to index
        %get3A_216 = arith.constant 80 : index
        %get3A_217 = tpu.vector_load %arg25[%get3A_215, %get3A_216] {strides = array<i32>} : memref<16x128xf32, #tpu.memory_space<vmem>>, vector<16xf32>,
        %add3A_218 = arith.addf %add3A_213, %get3A_217 : vector<16xf32>
        %get3A_219 = arith.constant 4 : i32
        %get3A_220 = arith.index_cast %get3A_219 : i32 to index
        %get3A_221 = arith.constant 80 : index
        %get3A_222 = tpu.vector_load %arg25[%get3A_220, %get3A_221] {strides = array<i32>} : memref<16x128xf32, #tpu.memory_space<vmem>>, vector<16xf32>,
        %add3A_223 = arith.addf %add3A_218, %get3A_222 : vector<16xf32>
        %get3A_224 = arith.constant 5 : i32
        %get3A_225 = arith.index_cast %get3A_224 : i32 to index
        %get3A_226 = arith.constant 80 : index
        %get3A_227 = tpu.vector_load %arg25[%get3A_225, %get3A_226] {strides = array<i32>} : memref<16x128xf32, #tpu.memory_space<vmem>>, vector<16xf32>,
        %add3A_228 = arith.addf %add3A_223, %get3A_227 : vector<16xf32>
        %swap3A_229 = arith.constant 80 : index
        %swap3A_230 = tpu.vector_load %arg27[%swap3A_229] {strides = array<i32>} : memref<128xf32, #tpu.memory_space<vmem>>, vector<16xf32>,
        tpu.vector_store %arg27[%swap3A_229], %add3A_228 {strides = array<i32>} : memref<128xf32, #tpu.memory_space<vmem>>, vector<16xf32>,
        %get3A_231 = arith.constant 0 : i32
        %get3A_232 = arith.index_cast %get3A_231 : i32 to index
        %get3A_233 = arith.constant 96 : index
        %get3A_234 = tpu.vector_load %arg25[%get3A_232, %get3A_233] {strides = array<i32>} : memref<16x128xf32, #tpu.memory_space<vmem>>, vector<16xf32>,
        %get3A_235 = arith.constant 1 : i32
        %get3A_236 = arith.index_cast %get3A_235 : i32 to index
        %get3A_237 = arith.constant 96 : index
        %get3A_238 = tpu.vector_load %arg25[%get3A_236, %get3A_237] {strides = array<i32>} : memref<16x128xf32, #tpu.memory_space<vmem>>, vector<16xf32>,
        %add3A_239 = arith.addf %get3A_234, %get3A_238 : vector<16xf32>
        %get3A_240 = arith.constant 2 : i32
        %get3A_241 = arith.index_cast %get3A_240 : i32 to index
        %get3A_242 = arith.constant 96 : index
        %get3A_243 = tpu.vector_load %arg25[%get3A_241, %get3A_242] {strides = array<i32>} : memref<16x128xf32, #tpu.memory_space<vmem>>, vector<16xf32>,
        %add3A_244 = arith.addf %add3A_239, %get3A_243 : vector<16xf32>
        %get3A_245 = arith.constant 3 : i32
        %get3A_246 = arith.index_cast %get3A_245 : i32 to index
        %get3A_247 = arith.constant 96 : index
        %get3A_248 = tpu.vector_load %arg25[%get3A_246, %get3A_247] {strides = array<i32>} : memref<16x128xf32, #tpu.memory_space<vmem>>, vector<16xf32>,
        %add3A_249 = arith.addf %add3A_244, %get3A_248 : vector<16xf32>
        %get3A_250 = arith.constant 4 : i32
        %get3A_251 = arith.index_cast %get3A_250 : i32 to index
        %get3A_252 = arith.constant 96 : index
        %get3A_253 = tpu.vector_load %arg25[%get3A_251, %get3A_252] {strides = array<i32>} : memref<16x128xf32, #tpu.memory_space<vmem>>, vector<16xf32>,
        %add3A_254 = arith.addf %add3A_249, %get3A_253 : vector<16xf32>
        %get3A_255 = arith.constant 5 : i32
        %get3A_256 = arith.index_cast %get3A_255 : i32 to index
        %get3A_257 = arith.constant 96 : index
        %get3A_258 = tpu.vector_load %arg25[%get3A_256, %get3A_257] {strides = array<i32>} : memref<16x128xf32, #tpu.memory_space<vmem>>, vector<16xf32>,
        %add3A_259 = arith.addf %add3A_254, %get3A_258 : vector<16xf32>
        %swap3A_260 = arith.constant 96 : index
        %swap3A_261 = tpu.vector_load %arg27[%swap3A_260] {strides = array<i32>} : memref<128xf32, #tpu.memory_space<vmem>>, vector<16xf32>,
        tpu.vector_store %arg27[%swap3A_260], %add3A_259 {strides = array<i32>} : memref<128xf32, #tpu.memory_space<vmem>>, vector<16xf32>,
        %get3A_262 = arith.constant 0 : i32
        %get3A_263 = arith.index_cast %get3A_262 : i32 to index
        %get3A_264 = arith.constant 112 : index
        %get3A_265 = tpu.vector_load %arg25[%get3A_263, %get3A_264] {strides = array<i32>} : memref<16x128xf32, #tpu.memory_space<vmem>>, vector<16xf32>,
        %get3A_266 = arith.constant 1 : i32
        %get3A_267 = arith.index_cast %get3A_266 : i32 to index
        %get3A_268 = arith.constant 112 : index
        %get3A_269 = tpu.vector_load %arg25[%get3A_267, %get3A_268] {strides = array<i32>} : memref<16x128xf32, #tpu.memory_space<vmem>>, vector<16xf32>,
        %add3A_270 = arith.addf %get3A_265, %get3A_269 : vector<16xf32>
        %get3A_271 = arith.constant 2 : i32
        %get3A_272 = arith.index_cast %get3A_271 : i32 to index
        %get3A_273 = arith.constant 112 : index
        %get3A_274 = tpu.vector_load %arg25[%get3A_272, %get3A_273] {strides = array<i32>} : memref<16x128xf32, #tpu.memory_space<vmem>>, vector<16xf32>,
        %add3A_275 = arith.addf %add3A_270, %get3A_274 : vector<16xf32>
        %get3A_276 = arith.constant 3 : i32
        %get3A_277 = arith.index_cast %get3A_276 : i32 to index
        %get3A_278 = arith.constant 112 : index
        %get3A_279 = tpu.vector_load %arg25[%get3A_277, %get3A_278] {strides = array<i32>} : memref<16x128xf32, #tpu.memory_space<vmem>>, vector<16xf32>,
        %add3A_280 = arith.addf %add3A_275, %get3A_279 : vector<16xf32>
        %get3A_281 = arith.constant 4 : i32
        %get3A_282 = arith.index_cast %get3A_281 : i32 to index
        %get3A_283 = arith.constant 112 : index
        %get3A_284 = tpu.vector_load %arg25[%get3A_282, %get3A_283] {strides = array<i32>} : memref<16x128xf32, #tpu.memory_space<vmem>>, vector<16xf32>,
        %add3A_285 = arith.addf %add3A_280, %get3A_284 : vector<16xf32>
        %get3A_286 = arith.constant 5 : i32
        %get3A_287 = arith.index_cast %get3A_286 : i32 to index
        %get3A_288 = arith.constant 112 : index
        %get3A_289 = tpu.vector_load %arg25[%get3A_287, %get3A_288] {strides = array<i32>} : memref<16x128xf32, #tpu.memory_space<vmem>>, vector<16xf32>,
        %add3A_290 = arith.addf %add3A_285, %get3A_289 : vector<16xf32>
        %swap3A_291 = arith.constant 112 : index
        %swap3A_292 = tpu.vector_load %arg27[%swap3A_291] {strides = array<i32>} : memref<128xf32, #tpu.memory_space<vmem>>, vector<16xf32>,
        tpu.vector_store %arg27[%swap3A_291], %add3A_290 {strides = array<i32>} : memref<128xf32, #tpu.memory_space<vmem>>, vector<16xf32>,
        "tpu.region"() ({
          %run_scoped3A_300 = tpu.sem_alloc : memref<!tpu.dma_semaphore, #tpu.memory_space<semaphore_mem>>
          tpu.enqueue_dma source(%arg27 : memref<128xf32, #tpu.memory_space<vmem>>) target(%arg11 : memref<128xf32, #tpu.memory_space<hbm>>) target_semaphore(%run_scoped3A_300 : memref<!tpu.dma_semaphore, #tpu.memory_space<semaphore_mem>>)
          tpu.wait_dma2 semaphore(%run_scoped3A_300 : memref<!tpu.dma_semaphore, #tpu.memory_space<semaphore_mem>>) src(%arg27 : memref<128xf32, #tpu.memory_space<vmem>>) dst(%arg11 : memref<128xf32, #tpu.memory_space<hbm>>)
          tpu.yield
        }) : () -> ()
        %run_scoped3A = arith.constant 0 : i32
        "tpu.region"() ({
          %run_scoped3A_300 = tpu.sem_alloc : memref<!tpu.dma_semaphore, #tpu.memory_space<semaphore_mem>>
          %dma_start3A_301 = arith.constant 0 : i32
          %dma_start3A_302 = tpu.memref_slice %arg25[%run_scoped3A, %dma_start3A_301] : memref<16x128xf32, #tpu.memory_space<vmem>> -> memref<1x128xf32, #tpu.memory_space<vmem>>
          %dma_start3A_303 = tpu.memref_squeeze %dma_start3A_302 : memref<1x128xf32, #tpu.memory_space<vmem>> -> memref<128xf32, #tpu.memory_space<vmem>>
          %dma_start3A_304 = arith.constant 0 : i32
          %dma_start3A_305 = tpu.memref_slice %arg25[%run_scoped3A, %dma_start3A_304] : memref<16x128xf32, #tpu.memory_space<vmem>> -> memref<1x128xf32, #tpu.memory_space<vmem>>
          %dma_start3A_306 = tpu.memref_squeeze %dma_start3A_305 : memref<1x128xf32, #tpu.memory_space<vmem>> -> memref<128xf32, #tpu.memory_space<vmem>>
          tpu.enqueue_dma source(%dma_start3A_306 : memref<128xf32, #tpu.memory_space<vmem>>) target(%arg12 : memref<128xf32, #tpu.memory_space<hbm>>) target_semaphore(%run_scoped3A_300 : memref<!tpu.dma_semaphore, #tpu.memory_space<semaphore_mem>>)
          %dma_wait3A_307 = arith.constant 0 : i32
          %dma_wait3A_308 = tpu.memref_slice %arg25[%run_scoped3A, %dma_wait3A_307] : memref<16x128xf32, #tpu.memory_space<vmem>> -> memref<1x128xf32, #tpu.memory_space<vmem>>
          %dma_wait3A_309 = tpu.memref_squeeze %dma_wait3A_308 : memref<1x128xf32, #tpu.memory_space<vmem>> -> memref<128xf32, #tpu.memory_space<vmem>>
          %dma_wait3A_310 = arith.constant 0 : i32
          %dma_wait3A_311 = tpu.memref_slice %arg25[%run_scoped3A, %dma_wait3A_310] : memref<16x128xf32, #tpu.memory_space<vmem>> -> memref<1x128xf32, #tpu.memory_space<vmem>>
          %dma_wait3A_312 = tpu.memref_squeeze %dma_wait3A_311 : memref<1x128xf32, #tpu.memory_space<vmem>> -> memref<128xf32, #tpu.memory_space<vmem>>
          tpu.wait_dma2 semaphore(%run_scoped3A_300 : memref<!tpu.dma_semaphore, #tpu.memory_space<semaphore_mem>>) src(%dma_wait3A_312 : memref<128xf32, #tpu.memory_space<vmem>>) dst(%arg12 : memref<128xf32, #tpu.memory_space<hbm>>)
          tpu.yield
        }) : () -> ()
        %dma_start3A_293 = arith.constant 0 : i32
        %dma_start3A_294 = arith.constant 0 : i32
        %dma_start3A_295 = tpu.memref_slice %arg8[%dma_start3A_293, %dma_start3A_294] : memref<10000x128xf32, #tpu.memory_space<hbm>> -> memref<10000x128xf32, #tpu.memory_space<hbm>>
        tpu.enqueue_indirect_dma source(%dma_start3A_295 : memref<10000x128xf32, #tpu.memory_space<hbm>>) target(%arg25 : memref<16x128xf32, #tpu.memory_space<vmem>>) offsets(%arg26 : memref<16xi32, #tpu.memory_space<vmem>>) semaphore(%arg29 : memref<!tpu.dma_semaphore, #tpu.memory_space<semaphore_mem>>)
        %dma_wait3A_296 = arith.constant 0 : i32
        %dma_wait3A_297 = arith.constant 0 : i32
        %dma_wait3A_298 = tpu.memref_slice %arg8[%dma_wait3A_296, %dma_wait3A_297] : memref<10000x128xf32, #tpu.memory_space<hbm>> -> memref<10000x128xf32, #tpu.memory_space<hbm>>
        tpu.wait_indirect_dma semaphore(%arg29 : memref<!tpu.dma_semaphore, #tpu.memory_space<semaphore_mem>>) src(%dma_wait3A_298 : memref<10000x128xf32, #tpu.memory_space<hbm>>) dst(%arg25 : memref<16x128xf32, #tpu.memory_space<vmem>>)
        %run_scoped3A_299 = arith.constant 0 : i32
        "tpu.region"() ({
          %run_scoped3A_300 = tpu.sem_alloc : memref<!tpu.dma_semaphore, #tpu.memory_space<semaphore_mem>>
          %dma_start3A_301 = arith.constant 0 : i32
          %dma_start3A_302 = tpu.memref_slice %arg25[%run_scoped3A_299, %dma_start3A_301] : memref<16x128xf32, #tpu.memory_space<vmem>> -> memref<1x128xf32, #tpu.memory_space<vmem>>
          %dma_start3A_303 = tpu.memref_squeeze %dma_start3A_302 : memref<1x128xf32, #tpu.memory_space<vmem>> -> memref<128xf32, #tpu.memory_space<vmem>>
          %dma_start3A_304 = arith.constant 0 : i32
          %dma_start3A_305 = tpu.memref_slice %arg25[%run_scoped3A_299, %dma_start3A_304] : memref<16x128xf32, #tpu.memory_space<vmem>> -> memref<1x128xf32, #tpu.memory_space<vmem>>
          %dma_start3A_306 = tpu.memref_squeeze %dma_start3A_305 : memref<1x128xf32, #tpu.memory_space<vmem>> -> memref<128xf32, #tpu.memory_space<vmem>>
          tpu.enqueue_dma source(%dma_start3A_306 : memref<128xf32, #tpu.memory_space<vmem>>) target(%arg15 : memref<128xf32, #tpu.memory_space<hbm>>) target_semaphore(%run_scoped3A_300 : memref<!tpu.dma_semaphore, #tpu.memory_space<semaphore_mem>>)
          %dma_wait3A_307 = arith.constant 0 : i32
          %dma_wait3A_308 = tpu.memref_slice %arg25[%run_scoped3A_299, %dma_wait3A_307] : memref<16x128xf32, #tpu.memory_space<vmem>> -> memref<1x128xf32, #tpu.memory_space<vmem>>
          %dma_wait3A_309 = tpu.memref_squeeze %dma_wait3A_308 : memref<1x128xf32, #tpu.memory_space<vmem>> -> memref<128xf32, #tpu.memory_space<vmem>>
          %dma_wait3A_310 = arith.constant 0 : i32
          %dma_wait3A_311 = tpu.memref_slice %arg25[%run_scoped3A_299, %dma_wait3A_310] : memref<16x128xf32, #tpu.memory_space<vmem>> -> memref<1x128xf32, #tpu.memory_space<vmem>>
          %dma_wait3A_312 = tpu.memref_squeeze %dma_wait3A_311 : memref<1x128xf32, #tpu.memory_space<vmem>> -> memref<128xf32, #tpu.memory_space<vmem>>
          tpu.wait_dma2 semaphore(%run_scoped3A_300 : memref<!tpu.dma_semaphore, #tpu.memory_space<semaphore_mem>>) src(%dma_wait3A_312 : memref<128xf32, #tpu.memory_space<vmem>>) dst(%arg15 : memref<128xf32, #tpu.memory_space<hbm>>)
          tpu.yield
        }) : () -> ()
      } else {
      }
      %eq3A_37 = arith.constant 1 : i32
      %eq3A_38 = arith.cmpi eq, %arg0, %eq3A_37 : i32
      %convert_element_type3A_39 = arith.extui %eq3A_38 : i1 to i32
      %cond3A_40 = arith.constant 0 : i32
      %cond3A_41 = arith.cmpi ne, %convert_element_type3A_39, %cond3A_40 : i32
      scf.if %cond3A_41 {
        %dma_start3A = arith.constant 0 : i32
        %dma_start3A_42 = arith.constant 0 : i32
        %dma_start3A_43 = tpu.memref_slice %arg7[%dma_start3A, %dma_start3A_42] : memref<10000x128xf32, #tpu.memory_space<hbm>> -> memref<10000x128xf32, #tpu.memory_space<hbm>>
        tpu.enqueue_indirect_dma source(%dma_start3A_43 : memref<10000x128xf32, #tpu.memory_space<hbm>>) target(%arg25 : memref<16x128xf32, #tpu.memory_space<vmem>>) offsets(%arg26 : memref<16xi32, #tpu.memory_space<vmem>>) semaphore(%arg29 : memref<!tpu.dma_semaphore, #tpu.memory_space<semaphore_mem>>)
        %dma_wait3A = arith.constant 0 : i32
        %dma_wait3A_44 = arith.constant 0 : i32
        %dma_wait3A_45 = tpu.memref_slice %arg7[%dma_wait3A, %dma_wait3A_44] : memref<10000x128xf32, #tpu.memory_space<hbm>> -> memref<10000x128xf32, #tpu.memory_space<hbm>>
        tpu.wait_indirect_dma semaphore(%arg29 : memref<!tpu.dma_semaphore, #tpu.memory_space<semaphore_mem>>) src(%dma_wait3A_45 : memref<10000x128xf32, #tpu.memory_space<hbm>>) dst(%arg25 : memref<16x128xf32, #tpu.memory_space<vmem>>)
        %get3A_46 = arith.constant 0 : i32
        %get3A_47 = arith.index_cast %get3A_46 : i32 to index
        %get3A_48 = arith.constant 0 : index
        %get3A_49 = tpu.vector_load %arg25[%get3A_47, %get3A_48] {strides = array<i32>} : memref<16x128xf32, #tpu.memory_space<vmem>>, vector<16xf32>,
        %get3A_50 = arith.constant 1 : i32
        %get3A_51 = arith.index_cast %get3A_50 : i32 to index
        %get3A_52 = arith.constant 0 : index
        %get3A_53 = tpu.vector_load %arg25[%get3A_51, %get3A_52] {strides = array<i32>} : memref<16x128xf32, #tpu.memory_space<vmem>>, vector<16xf32>,
        %add3A = arith.addf %get3A_49, %get3A_53 : vector<16xf32>
        %get3A_54 = arith.constant 2 : i32
        %get3A_55 = arith.index_cast %get3A_54 : i32 to index
        %get3A_56 = arith.constant 0 : index
        %get3A_57 = tpu.vector_load %arg25[%get3A_55, %get3A_56] {strides = array<i32>} : memref<16x128xf32, #tpu.memory_space<vmem>>, vector<16xf32>,
        %add3A_58 = arith.addf %add3A, %get3A_57 : vector<16xf32>
        %get3A_59 = arith.constant 3 : i32
        %get3A_60 = arith.index_cast %get3A_59 : i32 to index
        %get3A_61 = arith.constant 0 : index
        %get3A_62 = tpu.vector_load %arg25[%get3A_60, %get3A_61] {strides = array<i32>} : memref<16x128xf32, #tpu.memory_space<vmem>>, vector<16xf32>,
        %add3A_63 = arith.addf %add3A_58, %get3A_62 : vector<16xf32>
        %get3A_64 = arith.constant 4 : i32
        %get3A_65 = arith.index_cast %get3A_64 : i32 to index
        %get3A_66 = arith.constant 0 : index
        %get3A_67 = tpu.vector_load %arg25[%get3A_65, %get3A_66] {strides = array<i32>} : memref<16x128xf32, #tpu.memory_space<vmem>>, vector<16xf32>,
        %add3A_68 = arith.addf %add3A_63, %get3A_67 : vector<16xf32>
        %get3A_69 = arith.constant 5 : i32
        %get3A_70 = arith.index_cast %get3A_69 : i32 to index
        %get3A_71 = arith.constant 0 : index
        %get3A_72 = tpu.vector_load %arg25[%get3A_70, %get3A_71] {strides = array<i32>} : memref<16x128xf32, #tpu.memory_space<vmem>>, vector<16xf32>,
        %add3A_73 = arith.addf %add3A_68, %get3A_72 : vector<16xf32>
        %swap3A_74 = arith.constant 0 : index
        %swap3A_75 = tpu.vector_load %arg27[%swap3A_74] {strides = array<i32>} : memref<128xf32, #tpu.memory_space<vmem>>, vector<16xf32>,
        tpu.vector_store %arg27[%swap3A_74], %add3A_73 {strides = array<i32>} : memref<128xf32, #tpu.memory_space<vmem>>, vector<16xf32>,
        %get3A_76 = arith.constant 0 : i32
        %get3A_77 = arith.index_cast %get3A_76 : i32 to index
        %get3A_78 = arith.constant 16 : index
        %get3A_79 = tpu.vector_load %arg25[%get3A_77, %get3A_78] {strides = array<i32>} : memref<16x128xf32, #tpu.memory_space<vmem>>, vector<16xf32>,
        %get3A_80 = arith.constant 1 : i32
        %get3A_81 = arith.index_cast %get3A_80 : i32 to index
        %get3A_82 = arith.constant 16 : index
        %get3A_83 = tpu.vector_load %arg25[%get3A_81, %get3A_82] {strides = array<i32>} : memref<16x128xf32, #tpu.memory_space<vmem>>, vector<16xf32>,
        %add3A_84 = arith.addf %get3A_79, %get3A_83 : vector<16xf32>
        %get3A_85 = arith.constant 2 : i32
        %get3A_86 = arith.index_cast %get3A_85 : i32 to index
        %get3A_87 = arith.constant 16 : index
        %get3A_88 = tpu.vector_load %arg25[%get3A_86, %get3A_87] {strides = array<i32>} : memref<16x128xf32, #tpu.memory_space<vmem>>, vector<16xf32>,
        %add3A_89 = arith.addf %add3A_84, %get3A_88 : vector<16xf32>
        %get3A_90 = arith.constant 3 : i32
        %get3A_91 = arith.index_cast %get3A_90 : i32 to index
        %get3A_92 = arith.constant 16 : index
        %get3A_93 = tpu.vector_load %arg25[%get3A_91, %get3A_92] {strides = array<i32>} : memref<16x128xf32, #tpu.memory_space<vmem>>, vector<16xf32>,
        %add3A_94 = arith.addf %add3A_89, %get3A_93 : vector<16xf32>
        %get3A_95 = arith.constant 4 : i32
        %get3A_96 = arith.index_cast %get3A_95 : i32 to index
        %get3A_97 = arith.constant 16 : index
        %get3A_98 = tpu.vector_load %arg25[%get3A_96, %get3A_97] {strides = array<i32>} : memref<16x128xf32, #tpu.memory_space<vmem>>, vector<16xf32>,
        %add3A_99 = arith.addf %add3A_94, %get3A_98 : vector<16xf32>
        %get3A_100 = arith.constant 5 : i32
        %get3A_101 = arith.index_cast %get3A_100 : i32 to index
        %get3A_102 = arith.constant 16 : index
        %get3A_103 = tpu.vector_load %arg25[%get3A_101, %get3A_102] {strides = array<i32>} : memref<16x128xf32, #tpu.memory_space<vmem>>, vector<16xf32>,
        %add3A_104 = arith.addf %add3A_99, %get3A_103 : vector<16xf32>
        %swap3A_105 = arith.constant 16 : index
        %swap3A_106 = tpu.vector_load %arg27[%swap3A_105] {strides = array<i32>} : memref<128xf32, #tpu.memory_space<vmem>>, vector<16xf32>,
        tpu.vector_store %arg27[%swap3A_105], %add3A_104 {strides = array<i32>} : memref<128xf32, #tpu.memory_space<vmem>>, vector<16xf32>,
        %get3A_107 = arith.constant 0 : i32
        %get3A_108 = arith.index_cast %get3A_107 : i32 to index
        %get3A_109 = arith.constant 32 : index
        %get3A_110 = tpu.vector_load %arg25[%get3A_108, %get3A_109] {strides = array<i32>} : memref<16x128xf32, #tpu.memory_space<vmem>>, vector<16xf32>,
        %get3A_111 = arith.constant 1 : i32
        %get3A_112 = arith.index_cast %get3A_111 : i32 to index
        %get3A_113 = arith.constant 32 : index
        %get3A_114 = tpu.vector_load %arg25[%get3A_112, %get3A_113] {strides = array<i32>} : memref<16x128xf32, #tpu.memory_space<vmem>>, vector<16xf32>,
        %add3A_115 = arith.addf %get3A_110, %get3A_114 : vector<16xf32>
        %get3A_116 = arith.constant 2 : i32
        %get3A_117 = arith.index_cast %get3A_116 : i32 to index
        %get3A_118 = arith.constant 32 : index
        %get3A_119 = tpu.vector_load %arg25[%get3A_117, %get3A_118] {strides = array<i32>} : memref<16x128xf32, #tpu.memory_space<vmem>>, vector<16xf32>,
        %add3A_120 = arith.addf %add3A_115, %get3A_119 : vector<16xf32>
        %get3A_121 = arith.constant 3 : i32
        %get3A_122 = arith.index_cast %get3A_121 : i32 to index
        %get3A_123 = arith.constant 32 : index
        %get3A_124 = tpu.vector_load %arg25[%get3A_122, %get3A_123] {strides = array<i32>} : memref<16x128xf32, #tpu.memory_space<vmem>>, vector<16xf32>,
        %add3A_125 = arith.addf %add3A_120, %get3A_124 : vector<16xf32>
        %get3A_126 = arith.constant 4 : i32
        %get3A_127 = arith.index_cast %get3A_126 : i32 to index
        %get3A_128 = arith.constant 32 : index
        %get3A_129 = tpu.vector_load %arg25[%get3A_127, %get3A_128] {strides = array<i32>} : memref<16x128xf32, #tpu.memory_space<vmem>>, vector<16xf32>,
        %add3A_130 = arith.addf %add3A_125, %get3A_129 : vector<16xf32>
        %get3A_131 = arith.constant 5 : i32
        %get3A_132 = arith.index_cast %get3A_131 : i32 to index
        %get3A_133 = arith.constant 32 : index
        %get3A_134 = tpu.vector_load %arg25[%get3A_132, %get3A_133] {strides = array<i32>} : memref<16x128xf32, #tpu.memory_space<vmem>>, vector<16xf32>,
        %add3A_135 = arith.addf %add3A_130, %get3A_134 : vector<16xf32>
        %swap3A_136 = arith.constant 32 : index
        %swap3A_137 = tpu.vector_load %arg27[%swap3A_136] {strides = array<i32>} : memref<128xf32, #tpu.memory_space<vmem>>, vector<16xf32>,
        tpu.vector_store %arg27[%swap3A_136], %add3A_135 {strides = array<i32>} : memref<128xf32, #tpu.memory_space<vmem>>, vector<16xf32>,
        %get3A_138 = arith.constant 0 : i32
        %get3A_139 = arith.index_cast %get3A_138 : i32 to index
        %get3A_140 = arith.constant 48 : index
        %get3A_141 = tpu.vector_load %arg25[%get3A_139, %get3A_140] {strides = array<i32>} : memref<16x128xf32, #tpu.memory_space<vmem>>, vector<16xf32>,
        %get3A_142 = arith.constant 1 : i32
        %get3A_143 = arith.index_cast %get3A_142 : i32 to index
        %get3A_144 = arith.constant 48 : index
        %get3A_145 = tpu.vector_load %arg25[%get3A_143, %get3A_144] {strides = array<i32>} : memref<16x128xf32, #tpu.memory_space<vmem>>, vector<16xf32>,
        %add3A_146 = arith.addf %get3A_141, %get3A_145 : vector<16xf32>
        %get3A_147 = arith.constant 2 : i32
        %get3A_148 = arith.index_cast %get3A_147 : i32 to index
        %get3A_149 = arith.constant 48 : index
        %get3A_150 = tpu.vector_load %arg25[%get3A_148, %get3A_149] {strides = array<i32>} : memref<16x128xf32, #tpu.memory_space<vmem>>, vector<16xf32>,
        %add3A_151 = arith.addf %add3A_146, %get3A_150 : vector<16xf32>
        %get3A_152 = arith.constant 3 : i32
        %get3A_153 = arith.index_cast %get3A_152 : i32 to index
        %get3A_154 = arith.constant 48 : index
        %get3A_155 = tpu.vector_load %arg25[%get3A_153, %get3A_154] {strides = array<i32>} : memref<16x128xf32, #tpu.memory_space<vmem>>, vector<16xf32>,
        %add3A_156 = arith.addf %add3A_151, %get3A_155 : vector<16xf32>
        %get3A_157 = arith.constant 4 : i32
        %get3A_158 = arith.index_cast %get3A_157 : i32 to index
        %get3A_159 = arith.constant 48 : index
        %get3A_160 = tpu.vector_load %arg25[%get3A_158, %get3A_159] {strides = array<i32>} : memref<16x128xf32, #tpu.memory_space<vmem>>, vector<16xf32>,
        %add3A_161 = arith.addf %add3A_156, %get3A_160 : vector<16xf32>
        %get3A_162 = arith.constant 5 : i32
        %get3A_163 = arith.index_cast %get3A_162 : i32 to index
        %get3A_164 = arith.constant 48 : index
        %get3A_165 = tpu.vector_load %arg25[%get3A_163, %get3A_164] {strides = array<i32>} : memref<16x128xf32, #tpu.memory_space<vmem>>, vector<16xf32>,
        %add3A_166 = arith.addf %add3A_161, %get3A_165 : vector<16xf32>
        %swap3A_167 = arith.constant 48 : index
        %swap3A_168 = tpu.vector_load %arg27[%swap3A_167] {strides = array<i32>} : memref<128xf32, #tpu.memory_space<vmem>>, vector<16xf32>,
        tpu.vector_store %arg27[%swap3A_167], %add3A_166 {strides = array<i32>} : memref<128xf32, #tpu.memory_space<vmem>>, vector<16xf32>,
        %get3A_169 = arith.constant 0 : i32
        %get3A_170 = arith.index_cast %get3A_169 : i32 to index
        %get3A_171 = arith.constant 64 : index
        %get3A_172 = tpu.vector_load %arg25[%get3A_170, %get3A_171] {strides = array<i32>} : memref<16x128xf32, #tpu.memory_space<vmem>>, vector<16xf32>,
        %get3A_173 = arith.constant 1 : i32
        %get3A_174 = arith.index_cast %get3A_173 : i32 to index
        %get3A_175 = arith.constant 64 : index
        %get3A_176 = tpu.vector_load %arg25[%get3A_174, %get3A_175] {strides = array<i32>} : memref<16x128xf32, #tpu.memory_space<vmem>>, vector<16xf32>,
        %add3A_177 = arith.addf %get3A_172, %get3A_176 : vector<16xf32>
        %get3A_178 = arith.constant 2 : i32
        %get3A_179 = arith.index_cast %get3A_178 : i32 to index
        %get3A_180 = arith.constant 64 : index
        %get3A_181 = tpu.vector_load %arg25[%get3A_179, %get3A_180] {strides = array<i32>} : memref<16x128xf32, #tpu.memory_space<vmem>>, vector<16xf32>,
        %add3A_182 = arith.addf %add3A_177, %get3A_181 : vector<16xf32>
        %get3A_183 = arith.constant 3 : i32
        %get3A_184 = arith.index_cast %get3A_183 : i32 to index
        %get3A_185 = arith.constant 64 : index
        %get3A_186 = tpu.vector_load %arg25[%get3A_184, %get3A_185] {strides = array<i32>} : memref<16x128xf32, #tpu.memory_space<vmem>>, vector<16xf32>,
        %add3A_187 = arith.addf %add3A_182, %get3A_186 : vector<16xf32>
        %get3A_188 = arith.constant 4 : i32
        %get3A_189 = arith.index_cast %get3A_188 : i32 to index
        %get3A_190 = arith.constant 64 : index
        %get3A_191 = tpu.vector_load %arg25[%get3A_189, %get3A_190] {strides = array<i32>} : memref<16x128xf32, #tpu.memory_space<vmem>>, vector<16xf32>,
        %add3A_192 = arith.addf %add3A_187, %get3A_191 : vector<16xf32>
        %get3A_193 = arith.constant 5 : i32
        %get3A_194 = arith.index_cast %get3A_193 : i32 to index
        %get3A_195 = arith.constant 64 : index
        %get3A_196 = tpu.vector_load %arg25[%get3A_194, %get3A_195] {strides = array<i32>} : memref<16x128xf32, #tpu.memory_space<vmem>>, vector<16xf32>,
        %add3A_197 = arith.addf %add3A_192, %get3A_196 : vector<16xf32>
        %swap3A_198 = arith.constant 64 : index
        %swap3A_199 = tpu.vector_load %arg27[%swap3A_198] {strides = array<i32>} : memref<128xf32, #tpu.memory_space<vmem>>, vector<16xf32>,
        tpu.vector_store %arg27[%swap3A_198], %add3A_197 {strides = array<i32>} : memref<128xf32, #tpu.memory_space<vmem>>, vector<16xf32>,
        %get3A_200 = arith.constant 0 : i32
        %get3A_201 = arith.index_cast %get3A_200 : i32 to index
        %get3A_202 = arith.constant 80 : index
        %get3A_203 = tpu.vector_load %arg25[%get3A_201, %get3A_202] {strides = array<i32>} : memref<16x128xf32, #tpu.memory_space<vmem>>, vector<16xf32>,
        %get3A_204 = arith.constant 1 : i32
        %get3A_205 = arith.index_cast %get3A_204 : i32 to index
        %get3A_206 = arith.constant 80 : index
        %get3A_207 = tpu.vector_load %arg25[%get3A_205, %get3A_206] {strides = array<i32>} : memref<16x128xf32, #tpu.memory_space<vmem>>, vector<16xf32>,
        %add3A_208 = arith.addf %get3A_203, %get3A_207 : vector<16xf32>
        %get3A_209 = arith.constant 2 : i32
        %get3A_210 = arith.index_cast %get3A_209 : i32 to index
        %get3A_211 = arith.constant 80 : index
        %get3A_212 = tpu.vector_load %arg25[%get3A_210, %get3A_211] {strides = array<i32>} : memref<16x128xf32, #tpu.memory_space<vmem>>, vector<16xf32>,
        %add3A_213 = arith.addf %add3A_208, %get3A_212 : vector<16xf32>
        %get3A_214 = arith.constant 3 : i32
        %get3A_215 = arith.index_cast %get3A_214 : i32 to index
        %get3A_216 = arith.constant 80 : index
        %get3A_217 = tpu.vector_load %arg25[%get3A_215, %get3A_216] {strides = array<i32>} : memref<16x128xf32, #tpu.memory_space<vmem>>, vector<16xf32>,
        %add3A_218 = arith.addf %add3A_213, %get3A_217 : vector<16xf32>
        %get3A_219 = arith.constant 4 : i32
        %get3A_220 = arith.index_cast %get3A_219 : i32 to index
        %get3A_221 = arith.constant 80 : index
        %get3A_222 = tpu.vector_load %arg25[%get3A_220, %get3A_221] {strides = array<i32>} : memref<16x128xf32, #tpu.memory_space<vmem>>, vector<16xf32>,
        %add3A_223 = arith.addf %add3A_218, %get3A_222 : vector<16xf32>
        %get3A_224 = arith.constant 5 : i32
        %get3A_225 = arith.index_cast %get3A_224 : i32 to index
        %get3A_226 = arith.constant 80 : index
        %get3A_227 = tpu.vector_load %arg25[%get3A_225, %get3A_226] {strides = array<i32>} : memref<16x128xf32, #tpu.memory_space<vmem>>, vector<16xf32>,
        %add3A_228 = arith.addf %add3A_223, %get3A_227 : vector<16xf32>
        %swap3A_229 = arith.constant 80 : index
        %swap3A_230 = tpu.vector_load %arg27[%swap3A_229] {strides = array<i32>} : memref<128xf32, #tpu.memory_space<vmem>>, vector<16xf32>,
        tpu.vector_store %arg27[%swap3A_229], %add3A_228 {strides = array<i32>} : memref<128xf32, #tpu.memory_space<vmem>>, vector<16xf32>,
        %get3A_231 = arith.constant 0 : i32
        %get3A_232 = arith.index_cast %get3A_231 : i32 to index
        %get3A_233 = arith.constant 96 : index
        %get3A_234 = tpu.vector_load %arg25[%get3A_232, %get3A_233] {strides = array<i32>} : memref<16x128xf32, #tpu.memory_space<vmem>>, vector<16xf32>,
        %get3A_235 = arith.constant 1 : i32
        %get3A_236 = arith.index_cast %get3A_235 : i32 to index
        %get3A_237 = arith.constant 96 : index
        %get3A_238 = tpu.vector_load %arg25[%get3A_236, %get3A_237] {strides = array<i32>} : memref<16x128xf32, #tpu.memory_space<vmem>>, vector<16xf32>,
        %add3A_239 = arith.addf %get3A_234, %get3A_238 : vector<16xf32>
        %get3A_240 = arith.constant 2 : i32
        %get3A_241 = arith.index_cast %get3A_240 : i32 to index
        %get3A_242 = arith.constant 96 : index
        %get3A_243 = tpu.vector_load %arg25[%get3A_241, %get3A_242] {strides = array<i32>} : memref<16x128xf32, #tpu.memory_space<vmem>>, vector<16xf32>,
        %add3A_244 = arith.addf %add3A_239, %get3A_243 : vector<16xf32>
        %get3A_245 = arith.constant 3 : i32
        %get3A_246 = arith.index_cast %get3A_245 : i32 to index
        %get3A_247 = arith.constant 96 : index
        %get3A_248 = tpu.vector_load %arg25[%get3A_246, %get3A_247] {strides = array<i32>} : memref<16x128xf32, #tpu.memory_space<vmem>>, vector<16xf32>,
        %add3A_249 = arith.addf %add3A_244, %get3A_248 : vector<16xf32>
        %get3A_250 = arith.constant 4 : i32
        %get3A_251 = arith.index_cast %get3A_250 : i32 to index
        %get3A_252 = arith.constant 96 : index
        %get3A_253 = tpu.vector_load %arg25[%get3A_251, %get3A_252] {strides = array<i32>} : memref<16x128xf32, #tpu.memory_space<vmem>>, vector<16xf32>,
        %add3A_254 = arith.addf %add3A_249, %get3A_253 : vector<16xf32>
        %get3A_255 = arith.constant 5 : i32
        %get3A_256 = arith.index_cast %get3A_255 : i32 to index
        %get3A_257 = arith.constant 96 : index
        %get3A_258 = tpu.vector_load %arg25[%get3A_256, %get3A_257] {strides = array<i32>} : memref<16x128xf32, #tpu.memory_space<vmem>>, vector<16xf32>,
        %add3A_259 = arith.addf %add3A_254, %get3A_258 : vector<16xf32>
        %swap3A_260 = arith.constant 96 : index
        %swap3A_261 = tpu.vector_load %arg27[%swap3A_260] {strides = array<i32>} : memref<128xf32, #tpu.memory_space<vmem>>, vector<16xf32>,
        tpu.vector_store %arg27[%swap3A_260], %add3A_259 {strides = array<i32>} : memref<128xf32, #tpu.memory_space<vmem>>, vector<16xf32>,
        %get3A_262 = arith.constant 0 : i32
        %get3A_263 = arith.index_cast %get3A_262 : i32 to index
        %get3A_264 = arith.constant 112 : index
        %get3A_265 = tpu.vector_load %arg25[%get3A_263, %get3A_264] {strides = array<i32>} : memref<16x128xf32, #tpu.memory_space<vmem>>, vector<16xf32>,
        %get3A_266 = arith.constant 1 : i32
        %get3A_267 = arith.index_cast %get3A_266 : i32 to index
        %get3A_268 = arith.constant 112 : index
        %get3A_269 = tpu.vector_load %arg25[%get3A_267, %get3A_268] {strides = array<i32>} : memref<16x128xf32, #tpu.memory_space<vmem>>, vector<16xf32>,
        %add3A_270 = arith.addf %get3A_265, %get3A_269 : vector<16xf32>
        %get3A_271 = arith.constant 2 : i32
        %get3A_272 = arith.index_cast %get3A_271 : i32 to index
        %get3A_273 = arith.constant 112 : index
        %get3A_274 = tpu.vector_load %arg25[%get3A_272, %get3A_273] {strides = array<i32>} : memref<16x128xf32, #tpu.memory_space<vmem>>, vector<16xf32>,
        %add3A_275 = arith.addf %add3A_270, %get3A_274 : vector<16xf32>
        %get3A_276 = arith.constant 3 : i32
        %get3A_277 = arith.index_cast %get3A_276 : i32 to index
        %get3A_278 = arith.constant 112 : index
        %get3A_279 = tpu.vector_load %arg25[%get3A_277, %get3A_278] {strides = array<i32>} : memref<16x128xf32, #tpu.memory_space<vmem>>, vector<16xf32>,
        %add3A_280 = arith.addf %add3A_275, %get3A_279 : vector<16xf32>
        %get3A_281 = arith.constant 4 : i32
        %get3A_282 = arith.index_cast %get3A_281 : i32 to index
        %get3A_283 = arith.constant 112 : index
        %get3A_284 = tpu.vector_load %arg25[%get3A_282, %get3A_283] {strides = array<i32>} : memref<16x128xf32, #tpu.memory_space<vmem>>, vector<16xf32>,
        %add3A_285 = arith.addf %add3A_280, %get3A_284 : vector<16xf32>
        %get3A_286 = arith.constant 5 : i32
        %get3A_287 = arith.index_cast %get3A_286 : i32 to index
        %get3A_288 = arith.constant 112 : index
        %get3A_289 = tpu.vector_load %arg25[%get3A_287, %get3A_288] {strides = array<i32>} : memref<16x128xf32, #tpu.memory_space<vmem>>, vector<16xf32>,
        %add3A_290 = arith.addf %add3A_285, %get3A_289 : vector<16xf32>
        %swap3A_291 = arith.constant 112 : index
        %swap3A_292 = tpu.vector_load %arg27[%swap3A_291] {strides = array<i32>} : memref<128xf32, #tpu.memory_space<vmem>>, vector<16xf32>,
        tpu.vector_store %arg27[%swap3A_291], %add3A_290 {strides = array<i32>} : memref<128xf32, #tpu.memory_space<vmem>>, vector<16xf32>,
        "tpu.region"() ({
          %run_scoped3A_293 = tpu.sem_alloc : memref<!tpu.dma_semaphore, #tpu.memory_space<semaphore_mem>>
          tpu.enqueue_dma source(%arg27 : memref<128xf32, #tpu.memory_space<vmem>>) target(%arg13 : memref<128xf32, #tpu.memory_space<hbm>>) target_semaphore(%run_scoped3A_293 : memref<!tpu.dma_semaphore, #tpu.memory_space<semaphore_mem>>)
          tpu.wait_dma2 semaphore(%run_scoped3A_293 : memref<!tpu.dma_semaphore, #tpu.memory_space<semaphore_mem>>) src(%arg27 : memref<128xf32, #tpu.memory_space<vmem>>) dst(%arg13 : memref<128xf32, #tpu.memory_space<hbm>>)
          tpu.yield
        }) : () -> ()
        %run_scoped3A = arith.constant 0 : i32
        "tpu.region"() ({
          %run_scoped3A_293 = tpu.sem_alloc : memref<!tpu.dma_semaphore, #tpu.memory_space<semaphore_mem>>
          %dma_start3A_294 = arith.constant 0 : i32
          %dma_start3A_295 = tpu.memref_slice %arg25[%run_scoped3A, %dma_start3A_294] : memref<16x128xf32, #tpu.memory_space<vmem>> -> memref<1x128xf32, #tpu.memory_space<vmem>>
          %dma_start3A_296 = tpu.memref_squeeze %dma_start3A_295 : memref<1x128xf32, #tpu.memory_space<vmem>> -> memref<128xf32, #tpu.memory_space<vmem>>
          %dma_start3A_297 = arith.constant 0 : i32
          %dma_start3A_298 = tpu.memref_slice %arg25[%run_scoped3A, %dma_start3A_297] : memref<16x128xf32, #tpu.memory_space<vmem>> -> memref<1x128xf32, #tpu.memory_space<vmem>>
          %dma_start3A_299 = tpu.memref_squeeze %dma_start3A_298 : memref<1x128xf32, #tpu.memory_space<vmem>> -> memref<128xf32, #tpu.memory_space<vmem>>
          tpu.enqueue_dma source(%dma_start3A_299 : memref<128xf32, #tpu.memory_space<vmem>>) target(%arg14 : memref<128xf32, #tpu.memory_space<hbm>>) target_semaphore(%run_scoped3A_293 : memref<!tpu.dma_semaphore, #tpu.memory_space<semaphore_mem>>)
          %dma_wait3A_300 = arith.constant 0 : i32
          %dma_wait3A_301 = tpu.memref_slice %arg25[%run_scoped3A, %dma_wait3A_300] : memref<16x128xf32, #tpu.memory_space<vmem>> -> memref<1x128xf32, #tpu.memory_space<vmem>>
          %dma_wait3A_302 = tpu.memref_squeeze %dma_wait3A_301 : memref<1x128xf32, #tpu.memory_space<vmem>> -> memref<128xf32, #tpu.memory_space<vmem>>
          %dma_wait3A_303 = arith.constant 0 : i32
          %dma_wait3A_304 = tpu.memref_slice %arg25[%run_scoped3A, %dma_wait3A_303] : memref<16x128xf32, #tpu.memory_space<vmem>> -> memref<1x128xf32, #tpu.memory_space<vmem>>
          %dma_wait3A_305 = tpu.memref_squeeze %dma_wait3A_304 : memref<1x128xf32, #tpu.memory_space<vmem>> -> memref<128xf32, #tpu.memory_space<vmem>>
          tpu.wait_dma2 semaphore(%run_scoped3A_293 : memref<!tpu.dma_semaphore, #tpu.memory_space<semaphore_mem>>) src(%dma_wait3A_305 : memref<128xf32, #tpu.memory_space<vmem>>) dst(%arg14 : memref<128xf32, #tpu.memory_space<hbm>>)
          tpu.yield
        }) : () -> ()
      } else {
      }
    } else {
    }
    return
  }
}

module attributes {stable_mosaic.version = 14 : i64} {
  func.func @_tail_body(%arg0: memref<1x128xf32, #tpu.memory_space<vmem>>, %arg1: memref<1x128xf32, #tpu.memory_space<vmem>>, %arg2: memref<1x128xf32, #tpu.memory_space<vmem>>, %arg3: memref<1x128xf32, #tpu.memory_space<vmem>>, %arg4: memref<1x128xf32, #tpu.memory_space<vmem>>, %arg5: memref<256x128xf32, #tpu.memory_space<vmem>>, %arg6: memref<1x128xf32, #tpu.memory_space<vmem>>, %arg7: memref<256x128xf32, #tpu.memory_space<vmem>>, %arg8: memref<1x128xf32, #tpu.memory_space<vmem>>, %arg9: memref<3x128xf32, #tpu.memory_space<vmem>>, %arg10: memref<1x1xf32, #tpu.memory_space<vmem>>, %arg11: memref<1x128xf32, #tpu.memory_space<vmem>>) attributes {dimension_semantics = [], scalar_prefetch = 0 : i64, scratch_operands = 0 : i64, tpu.core_type = #tpu.core_type<tc>} {
    %get3A = arith.constant 0 : index
    %get3A_0 = arith.constant 0 : index
    %get3A_1 = vector.load %arg0[%get3A, %get3A_0] : memref<1x128xf32, #tpu.memory_space<vmem>>, vector<1x128xf32>
    %get3A_2 = arith.constant 0 : index
    %get3A_3 = arith.constant 0 : index
    %get3A_4 = vector.load %arg1[%get3A_2, %get3A_3] : memref<1x128xf32, #tpu.memory_space<vmem>>, vector<1x128xf32>
    %concatenate3A = tpu.concatenate %get3A_1, %get3A_4 in 1 : vector<1x128xf32>, vector<1x128xf32> -> vector<1x256xf32>
    %get3A_5 = arith.constant 0 : index
    %get3A_6 = arith.constant 0 : index
    %get3A_7 = vector.load %arg5[%get3A_5, %get3A_6] : memref<256x128xf32, #tpu.memory_space<vmem>>, vector<256x128xf32>
    %dot_general3A = arith.constant dense<0.000000e+00> : vector<1x128xf32>
    %dot_general3A_8 = tpu.matmul %concatenate3A, %get3A_7, %dot_general3A {dimension_numbers = #tpu.dot_dimension_numbers<[1], [0], [0], [1], [0, 0, 1, 1], [], []>, precision = #tpu.contract_precision<fp32>, transpose_lhs_hint = false} : vector<1x256xf32>, vector<256x128xf32>, vector<1x128xf32> -> vector<1x128xf32>
    %get3A_9 = arith.constant 0 : index
    %get3A_10 = arith.constant 0 : index
    %get3A_11 = vector.load %arg6[%get3A_9, %get3A_10] : memref<1x128xf32, #tpu.memory_space<vmem>>, vector<1x128xf32>
    %add3A = arith.addf %dot_general3A_8, %get3A_11 : vector<1x128xf32>
    %max3A = arith.constant 0.000000e+00 : f32
    %max3A_12 = vector.broadcast %max3A : f32 to vector<1x128xf32>
    %max3A_13 = arith.maximumf %add3A, %max3A_12 : vector<1x128xf32>
    %get3A_14 = arith.constant 0 : index
    %get3A_15 = arith.constant 0 : index
    %get3A_16 = vector.load %arg2[%get3A_14, %get3A_15] : memref<1x128xf32, #tpu.memory_space<vmem>>, vector<1x128xf32>
    %get3A_17 = arith.constant 0 : index
    %get3A_18 = arith.constant 0 : index
    %get3A_19 = vector.load %arg3[%get3A_17, %get3A_18] : memref<1x128xf32, #tpu.memory_space<vmem>>, vector<1x128xf32>
    %concatenate3A_20 = tpu.concatenate %get3A_16, %get3A_19 in 1 : vector<1x128xf32>, vector<1x128xf32> -> vector<1x256xf32>
    %get3A_21 = arith.constant 0 : index
    %get3A_22 = arith.constant 0 : index
    %get3A_23 = vector.load %arg7[%get3A_21, %get3A_22] : memref<256x128xf32, #tpu.memory_space<vmem>>, vector<256x128xf32>
    %dot_general3A_24 = arith.constant dense<0.000000e+00> : vector<1x128xf32>
    %dot_general3A_25 = tpu.matmul %concatenate3A_20, %get3A_23, %dot_general3A_24 {dimension_numbers = #tpu.dot_dimension_numbers<[1], [0], [0], [1], [0, 0, 1, 1], [], []>, precision = #tpu.contract_precision<fp32>, transpose_lhs_hint = false} : vector<1x256xf32>, vector<256x128xf32>, vector<1x128xf32> -> vector<1x128xf32>
    %get3A_26 = arith.constant 0 : index
    %get3A_27 = arith.constant 0 : index
    %get3A_28 = vector.load %arg8[%get3A_26, %get3A_27] : memref<1x128xf32, #tpu.memory_space<vmem>>, vector<1x128xf32>
    %add3A_29 = arith.addf %dot_general3A_25, %get3A_28 : vector<1x128xf32>
    %max3A_30 = arith.constant 0.000000e+00 : f32
    %max3A_31 = vector.broadcast %max3A_30 : f32 to vector<1x128xf32>
    %max3A_32 = arith.maximumf %add3A_29, %max3A_31 : vector<1x128xf32>
    %get3A_33 = arith.constant 0 : index
    %get3A_34 = arith.constant 0 : index
    %get3A_35 = vector.load %arg4[%get3A_33, %get3A_34] : memref<1x128xf32, #tpu.memory_space<vmem>>, vector<1x128xf32>
    %get3A_36 = arith.constant 0 : index
    %get3A_37 = arith.constant 0 : index
    %get3A_38 = vector.load %arg9[%get3A_36, %get3A_37] : memref<3x128xf32, #tpu.memory_space<vmem>>, vector<3x128xf32>
    %get3A_39 = arith.constant 0 : index
    %get3A_40 = arith.constant 0 : index
    %get3A_41 = vector.load %arg10[%get3A_39, %get3A_40] : memref<1x1xf32, #tpu.memory_space<vmem>>, vector<1x1xf32>
    %get3A_42 = vector.extract %get3A_41[0, 0] : f32 from vector<1x1xf32>
    %squeeze3A = vector.shape_cast %max3A_13 : vector<1x128xf32> to vector<128xf32>
    %slice3A = vector.extract_strided_slice %get3A_38 {offsets = [0, 0], sizes = [1, 128], strides = [1, 1]} : vector<3x128xf32> to vector<1x128xf32>
    %squeeze3A_43 = vector.shape_cast %slice3A : vector<1x128xf32> to vector<128xf32>
    %mul3A = arith.mulf %squeeze3A, %squeeze3A_43 : vector<128xf32>
    %reduce_sum3A = vector.shape_cast %mul3A : vector<128xf32> to vector<1x128xf32>
    %reduce_sum3A_44 = arith.constant dense<0.000000e+00> : vector<1xf32>
    %reduce_sum3A_45 = vector.multi_reduction <add>, %reduce_sum3A, %reduce_sum3A_44 [1] : vector<1x128xf32> to vector<1xf32>
    %reduce_sum3A_46 = vector.shape_cast %reduce_sum3A_45 : vector<1xf32> to vector<1x1xf32>
    %reduce_sum3A_47 = vector.extract %reduce_sum3A_46[0, 0] : f32 from vector<1x1xf32>
    %squeeze3A_48 = vector.shape_cast %max3A_32 : vector<1x128xf32> to vector<128xf32>
    %slice3A_49 = vector.extract_strided_slice %get3A_38 {offsets = [1, 0], sizes = [1, 128], strides = [1, 1]} : vector<3x128xf32> to vector<1x128xf32>
    %squeeze3A_50 = vector.shape_cast %slice3A_49 : vector<1x128xf32> to vector<128xf32>
    %mul3A_51 = arith.mulf %squeeze3A_48, %squeeze3A_50 : vector<128xf32>
    %reduce_sum3A_52 = vector.shape_cast %mul3A_51 : vector<128xf32> to vector<1x128xf32>
    %reduce_sum3A_53 = arith.constant dense<0.000000e+00> : vector<1xf32>
    %reduce_sum3A_54 = vector.multi_reduction <add>, %reduce_sum3A_52, %reduce_sum3A_53 [1] : vector<1x128xf32> to vector<1xf32>
    %reduce_sum3A_55 = vector.shape_cast %reduce_sum3A_54 : vector<1xf32> to vector<1x1xf32>
    %reduce_sum3A_56 = vector.extract %reduce_sum3A_55[0, 0] : f32 from vector<1x1xf32>
    %add3A_57 = arith.addf %reduce_sum3A_47, %reduce_sum3A_56 : f32
    %squeeze3A_58 = vector.shape_cast %get3A_35 : vector<1x128xf32> to vector<128xf32>
    %slice3A_59 = vector.extract_strided_slice %get3A_38 {offsets = [2, 0], sizes = [1, 128], strides = [1, 1]} : vector<3x128xf32> to vector<1x128xf32>
    %squeeze3A_60 = vector.shape_cast %slice3A_59 : vector<1x128xf32> to vector<128xf32>
    %mul3A_61 = arith.mulf %squeeze3A_58, %squeeze3A_60 : vector<128xf32>
    %reduce_sum3A_62 = vector.shape_cast %mul3A_61 : vector<128xf32> to vector<1x128xf32>
    %reduce_sum3A_63 = arith.constant dense<0.000000e+00> : vector<1xf32>
    %reduce_sum3A_64 = vector.multi_reduction <add>, %reduce_sum3A_62, %reduce_sum3A_63 [1] : vector<1x128xf32> to vector<1xf32>
    %reduce_sum3A_65 = vector.shape_cast %reduce_sum3A_64 : vector<1xf32> to vector<1x1xf32>
    %reduce_sum3A_66 = vector.extract %reduce_sum3A_65[0, 0] : f32 from vector<1x1xf32>
    %add3A_67 = arith.addf %add3A_57, %reduce_sum3A_66 : f32
    %add3A_68 = arith.addf %add3A_67, %get3A_42 : f32
    %squeeze3A_69 = vector.shape_cast %max3A_32 : vector<1x128xf32> to vector<128xf32>
    %slice3A_70 = vector.extract_strided_slice %get3A_38 {offsets = [0, 0], sizes = [1, 128], strides = [1, 1]} : vector<3x128xf32> to vector<1x128xf32>
    %squeeze3A_71 = vector.shape_cast %slice3A_70 : vector<1x128xf32> to vector<128xf32>
    %mul3A_72 = arith.mulf %squeeze3A_69, %squeeze3A_71 : vector<128xf32>
    %reduce_sum3A_73 = vector.shape_cast %mul3A_72 : vector<128xf32> to vector<1x128xf32>
    %reduce_sum3A_74 = arith.constant dense<0.000000e+00> : vector<1xf32>
    %reduce_sum3A_75 = vector.multi_reduction <add>, %reduce_sum3A_73, %reduce_sum3A_74 [1] : vector<1x128xf32> to vector<1xf32>
    %reduce_sum3A_76 = vector.shape_cast %reduce_sum3A_75 : vector<1xf32> to vector<1x1xf32>
    %reduce_sum3A_77 = vector.extract %reduce_sum3A_76[0, 0] : f32 from vector<1x1xf32>
    %squeeze3A_78 = vector.shape_cast %get3A_35 : vector<1x128xf32> to vector<128xf32>
    %slice3A_79 = vector.extract_strided_slice %get3A_38 {offsets = [1, 0], sizes = [1, 128], strides = [1, 1]} : vector<3x128xf32> to vector<1x128xf32>
    %squeeze3A_80 = vector.shape_cast %slice3A_79 : vector<1x128xf32> to vector<128xf32>
    %mul3A_81 = arith.mulf %squeeze3A_78, %squeeze3A_80 : vector<128xf32>
    %reduce_sum3A_82 = vector.shape_cast %mul3A_81 : vector<128xf32> to vector<1x128xf32>
    %reduce_sum3A_83 = arith.constant dense<0.000000e+00> : vector<1xf32>
    %reduce_sum3A_84 = vector.multi_reduction <add>, %reduce_sum3A_82, %reduce_sum3A_83 [1] : vector<1x128xf32> to vector<1xf32>
    %reduce_sum3A_85 = vector.shape_cast %reduce_sum3A_84 : vector<1xf32> to vector<1x1xf32>
    %reduce_sum3A_86 = vector.extract %reduce_sum3A_85[0, 0] : f32 from vector<1x1xf32>
    %add3A_87 = arith.addf %reduce_sum3A_77, %reduce_sum3A_86 : f32
    %squeeze3A_88 = vector.shape_cast %max3A_13 : vector<1x128xf32> to vector<128xf32>
    %slice3A_89 = vector.extract_strided_slice %get3A_38 {offsets = [2, 0], sizes = [1, 128], strides = [1, 1]} : vector<3x128xf32> to vector<1x128xf32>
    %squeeze3A_90 = vector.shape_cast %slice3A_89 : vector<1x128xf32> to vector<128xf32>
    %mul3A_91 = arith.mulf %squeeze3A_88, %squeeze3A_90 : vector<128xf32>
    %reduce_sum3A_92 = vector.shape_cast %mul3A_91 : vector<128xf32> to vector<1x128xf32>
    %reduce_sum3A_93 = arith.constant dense<0.000000e+00> : vector<1xf32>
    %reduce_sum3A_94 = vector.multi_reduction <add>, %reduce_sum3A_92, %reduce_sum3A_93 [1] : vector<1x128xf32> to vector<1xf32>
    %reduce_sum3A_95 = vector.shape_cast %reduce_sum3A_94 : vector<1xf32> to vector<1x1xf32>
    %reduce_sum3A_96 = vector.extract %reduce_sum3A_95[0, 0] : f32 from vector<1x1xf32>
    %add3A_97 = arith.addf %add3A_87, %reduce_sum3A_96 : f32
    %add3A_98 = arith.addf %add3A_97, %get3A_42 : f32
    %squeeze3A_99 = vector.shape_cast %get3A_35 : vector<1x128xf32> to vector<128xf32>
    %slice3A_100 = vector.extract_strided_slice %get3A_38 {offsets = [0, 0], sizes = [1, 128], strides = [1, 1]} : vector<3x128xf32> to vector<1x128xf32>
    %squeeze3A_101 = vector.shape_cast %slice3A_100 : vector<1x128xf32> to vector<128xf32>
    %mul3A_102 = arith.mulf %squeeze3A_99, %squeeze3A_101 : vector<128xf32>
    %reduce_sum3A_103 = vector.shape_cast %mul3A_102 : vector<128xf32> to vector<1x128xf32>
    %reduce_sum3A_104 = arith.constant dense<0.000000e+00> : vector<1xf32>
    %reduce_sum3A_105 = vector.multi_reduction <add>, %reduce_sum3A_103, %reduce_sum3A_104 [1] : vector<1x128xf32> to vector<1xf32>
    %reduce_sum3A_106 = vector.shape_cast %reduce_sum3A_105 : vector<1xf32> to vector<1x1xf32>
    %reduce_sum3A_107 = vector.extract %reduce_sum3A_106[0, 0] : f32 from vector<1x1xf32>
    %squeeze3A_108 = vector.shape_cast %max3A_13 : vector<1x128xf32> to vector<128xf32>
    %slice3A_109 = vector.extract_strided_slice %get3A_38 {offsets = [1, 0], sizes = [1, 128], strides = [1, 1]} : vector<3x128xf32> to vector<1x128xf32>
    %squeeze3A_110 = vector.shape_cast %slice3A_109 : vector<1x128xf32> to vector<128xf32>
    %mul3A_111 = arith.mulf %squeeze3A_108, %squeeze3A_110 : vector<128xf32>
    %reduce_sum3A_112 = vector.shape_cast %mul3A_111 : vector<128xf32> to vector<1x128xf32>
    %reduce_sum3A_113 = arith.constant dense<0.000000e+00> : vector<1xf32>
    %reduce_sum3A_114 = vector.multi_reduction <add>, %reduce_sum3A_112, %reduce_sum3A_113 [1] : vector<1x128xf32> to vector<1xf32>
    %reduce_sum3A_115 = vector.shape_cast %reduce_sum3A_114 : vector<1xf32> to vector<1x1xf32>
    %reduce_sum3A_116 = vector.extract %reduce_sum3A_115[0, 0] : f32 from vector<1x1xf32>
    %add3A_117 = arith.addf %reduce_sum3A_107, %reduce_sum3A_116 : f32
    %squeeze3A_118 = vector.shape_cast %max3A_32 : vector<1x128xf32> to vector<128xf32>
    %slice3A_119 = vector.extract_strided_slice %get3A_38 {offsets = [2, 0], sizes = [1, 128], strides = [1, 1]} : vector<3x128xf32> to vector<1x128xf32>
    %squeeze3A_120 = vector.shape_cast %slice3A_119 : vector<1x128xf32> to vector<128xf32>
    %mul3A_121 = arith.mulf %squeeze3A_118, %squeeze3A_120 : vector<128xf32>
    %reduce_sum3A_122 = vector.shape_cast %mul3A_121 : vector<128xf32> to vector<1x128xf32>
    %reduce_sum3A_123 = arith.constant dense<0.000000e+00> : vector<1xf32>
    %reduce_sum3A_124 = vector.multi_reduction <add>, %reduce_sum3A_122, %reduce_sum3A_123 [1] : vector<1x128xf32> to vector<1xf32>
    %reduce_sum3A_125 = vector.shape_cast %reduce_sum3A_124 : vector<1xf32> to vector<1x1xf32>
    %reduce_sum3A_126 = vector.extract %reduce_sum3A_125[0, 0] : f32 from vector<1x1xf32>
    %add3A_127 = arith.addf %add3A_117, %reduce_sum3A_126 : f32
    %add3A_128 = arith.addf %add3A_127, %get3A_42 : f32
    %max3A_129 = arith.maximumf %add3A_68, %add3A_98 : f32
    %max3A_130 = arith.maximumf %max3A_129, %add3A_128 : f32
    %sub3A = arith.subf %add3A_68, %max3A_130 : f32
    %exp3A = math.exp %sub3A : f32
    %sub3A_131 = arith.subf %add3A_98, %max3A_130 : f32
    %exp3A_132 = math.exp %sub3A_131 : f32
    %sub3A_133 = arith.subf %add3A_128, %max3A_130 : f32
    %exp3A_134 = math.exp %sub3A_133 : f32
    %add3A_135 = arith.addf %exp3A, %exp3A_132 : f32
    %add3A_136 = arith.addf %add3A_135, %exp3A_134 : f32
    %mul3A_137 = vector.broadcast %exp3A : f32 to vector<1x128xf32>
    %mul3A_138 = arith.mulf %mul3A_137, %max3A_13 : vector<1x128xf32>
    %mul3A_139 = vector.broadcast %exp3A_132 : f32 to vector<1x128xf32>
    %mul3A_140 = arith.mulf %mul3A_139, %max3A_32 : vector<1x128xf32>
    %add3A_141 = arith.addf %mul3A_138, %mul3A_140 : vector<1x128xf32>
    %mul3A_142 = vector.broadcast %exp3A_134 : f32 to vector<1x128xf32>
    %mul3A_143 = arith.mulf %mul3A_142, %get3A_35 : vector<1x128xf32>
    %add3A_144 = arith.addf %add3A_141, %mul3A_143 : vector<1x128xf32>
    %div3A = vector.broadcast %add3A_136 : f32 to vector<1x128xf32>
    %div3A_145 = arith.divf %add3A_144, %div3A : vector<1x128xf32>
    %swap3A = arith.constant 0 : index
    %swap3A_146 = arith.constant 0 : index
    %swap3A_147 = vector.load %arg11[%swap3A, %swap3A_146] : memref<1x128xf32, #tpu.memory_space<vmem>>, vector<1x128xf32>
    tpu.vector_store %arg11[%swap3A, %swap3A_146], %div3A_145 {strides = array<i32>} : memref<1x128xf32, #tpu.memory_space<vmem>>, vector<1x128xf32>,
    return
  }
}

</mosaic_0001>

<sc_bundles>
// kernel: kernel.4.cloned.1.call-start
scs
__scs_entry_jumppad:
0x0: {  	(pc) =	sbr.rel $0x88, $3  }
0x1: {  	(tag) =	ssettag $0x0;
	lr =	simm.s32 $0x1  }
0x2: {  	[smem:$0x3F93] =	sst lr;
	_ =	strace $0xD0000000  }
0x3: {  	_ = 	snop  }
0x4: {  	_ = 	snop  }
0x5: {  	_ = 	snop  }
0x6: {  	_ = 	snop  }
0x7: {  	_ = 	snop  }
__scs_overlays_trampoline_lowered:
0x8: {  	[smem:$0x3FA2] =	sst s0  }
0x9: {  	[smem:$0x3FA3] =	sst s1  }
0xa: {  	[smem:$0x3FA4] =	sst s2  }
0xb: {  	[smem:$0x3FA5] =	sst s3  }
0xc: {  	[smem:$0x3FA6] =	sst s4  }
0xd: {  	[smem:$0x3FA7] =	sst s5  }
0xe: {  	[smem:$0x3FA8] =	sst s6  }
0xf: {  	[smem:$0x3FA9] =	sst s7  }
0x10: {  	[smem:$0x3FAA] =	sst s8  }
0x11: {  	[smem:$0x3FAB] =	sst s9;
	s0 =	simm.s32 @!p0 $0x0  }
0x12: {  	s1 =	sld [smem:$0x3F91];
	s0 =	simm.s32 @p0 $0x1  }
0x13: {  	[smem:$0x3FAC] =	sst s0;
	s0 =	simm.s32 @!p1 $0x0  }
0x14: {  	s2 =	sld [smem:$0x3F90];
	s0 =	simm.s32 @p1 $0x1  }
0x15: {  	[smem:$0x3FAD] =	sst s0;
	s0 =	simm.s32 @!p2 $0x0  }
0x16: {  	s3 =	sld [smem:$0x3FDB];
	s0 =	simm.s32 @p2 $0x1  }
0x17: {  	s4 =	simm.s32 $0x1BF5;
	[smem:$0x3FAF] =	sst s0  }
0x18: {  	s0 =	sld [smem:$0x3F92];
	_ =	swait.ge [sflag:s4], $0x0  }
0x19: {  	s7 =	sld [smem:$0x3F93]  }
0x1a: {  	s8 =	sadd.s32 $0xFFFFE003, lr  }
0x1b: {  	s9 =	sadd.s32 $0xFFFFFEF7, lr;
	s5 =	simm.s32 $0xFFFFFFFF;
	p2 =	slt.u32 s8, $0xFFFFF086  }
0x1c: {  	p1 =	slt.u32 s9, $0xF7A;
	s5 =	simm.s32 @!p2 $0x0  }
0x1d: {  	s5 =	simm.s32 @p1 $0x1;
	p0 =	seq.s32 s7, s2  }
0x1e: {  	s7 =	smul.u32 @!p0 $0xF7A, s2;
	p2 =	seq.s32 @!p0 s5, $0x0  }
0x1f: {  	s9 =	smul.u32 $0xF7A, s1;
	s8 =	simm.s32 @!p0 $0x1BF5;
	p2 =	por !p2, p0  }
0x20: {  	[sflag:s8] =	ssyncset.s32 @!p0 $0xFFFFF086;
	s6 =	sadd.s32 @!p0 s3, s7;
	s7 =	simm.s32 @!p0 $0x108  }
0x21: {  	s3 =	sadd.s32 s3, s9;
	s6 =	sadd.s32 @!p0 $0x88, s6;
	s7 =	simm.s32 @p2 $0x1082  }
0x22: {  	[simem:s7], [sflag:s8] =	dma.local @!p0 [hbm:s6], $0xF7A  }
0x23: {  	s9 =	sor.u32 $0xD0000000, s2;
	s6 =	simm.s32 $0x108;
	_ =	swait.ge @!p0 [sflag:s8], $0x0  }
0x24: {  	s3 =	sadd.s32 $0x88, s3;
	s6 =	simm.s32 @!p1 $0x1082;
	[sflag:s4] =	ssyncset.s32 $0xFFFFF086  }
0x25: {  	[simem:s6], [sflag:s4] =	dma.local [hbm:s3], $0xF7A  }
0x26: {  	[smem:$0x3F93] =	sst s1;
	(tag) =	ssettag s2;
	_ =	strace s9  }
0x27: {  	s1 =	sld [smem:$0x3FA3]  }
0x28: {  	s2 =	sld [smem:$0x3FA4]  }
0x29: {  	s4 =	sld [smem:$0x3FA6]  }
0x2a: {  	p0 =	seq.s32 s5, $0x0;
	s5 =	sld [smem:$0x3FA7]  }
0x2b: {  	s6 =	sld [smem:$0x3FA8]  }
0x2c: {  	s7 =	sld [smem:$0x3FA9]  }
0x2d: {  	s3 =	simm.s32 $0x108;
	s8 =	sld [smem:$0x3FAA]  }
0x2e: {  	s3 =	simm.s32 @!p0 $0x1082;
	s9 =	sld [smem:$0x3FAB]  }
0x2f: {  	lr =	sadd.s32 s0, s3;
	s0 =	sld [smem:$0x3FA2]  }
0x30: {  	s3 =	sld [smem:$0x3FA5]  }
0x31: {  	[smem:$0x3FAE] =	sst s10  }
0x32: {  	s10 =	sld [smem:$0x3FAC];
	_ =	sdelay $0x3  }
0x33: {  	p0 =	seq.s32 s10, $0x1;
	s10 =	sld [smem:$0x3FAE];
	_ =	sdelay $0x3  }
0x34: {  	[smem:$0x3FAE] =	sst s10  }
0x35: {  	s10 =	sld [smem:$0x3FAD];
	_ =	sdelay $0x3  }
0x36: {  	p1 =	seq.s32 s10, $0x1;
	s10 =	sld [smem:$0x3FAE];
	_ =	sdelay $0x3  }
0x37: {  	[smem:$0x3FAE] =	sst s10  }
0x38: {  	s10 =	sld [smem:$0x3FAF]  }
0x39: {  	_ = 	snop;
	(pc) =	sbr.ind lr, $3  }
0x3a: {  	_ = 	snop  }
0x3b: {  	_ = 	snop  }
0x3c: {  	p2 =	seq.s32 s10, $0x1;
	s10 =	sld [smem:$0x3FAE]  }
0x3d: {  	_ =	shalt  }
0x3e: {  	_ =	shalt  }
0x3f: {  	_ =	shalt  }
0x40: {  	_ =	shalt  }
0x41: {  	_ =	shalt  }
0x42: {  	_ =	shalt  }
0x43: {  	_ =	shalt  }
0x44: {  	_ =	shalt  }
0x45: {  	_ =	shalt  }
0x46: {  	_ =	shalt  }
0x47: {  	_ =	shalt  }
0x48: {  	_ =	shalt  }
0x49: {  	_ =	shalt  }
0x4a: {  	_ =	shalt  }
0x4b: {  	_ =	shalt  }
0x4c: {  	_ =	shalt  }
0x4d: {  	_ =	shalt  }
0x4e: {  	_ =	shalt  }
0x4f: {  	_ =	shalt  }
0x50: {  	_ =	shalt  }
0x51: {  	_ =	shalt  }
0x52: {  	_ =	shalt  }
0x53: {  	_ =	shalt  }
0x54: {  	_ =	shalt  }
0x55: {  	_ =	shalt  }
0x56: {  	_ =	shalt  }
0x57: {  	_ =	shalt  }
0x58: {  	_ =	shalt  }
0x59: {  	_ =	shalt  }
0x5a: {  	_ =	shalt  }
0x5b: {  	_ =	shalt  }
0x5c: {  	_ =	shalt  }
0x5d: {  	_ =	shalt  }
0x5e: {  	_ =	shalt  }
0x5f: {  	_ =	shalt  }
0x60: {  	_ =	shalt  }
0x61: {  	_ =	shalt  }
0x62: {  	_ =	shalt  }
0x63: {  	_ =	shalt  }
0x64: {  	_ =	shalt  }
0x65: {  	_ =	shalt  }
0x66: {  	_ =	shalt  }
0x67: {  	_ =	shalt  }
0x68: {  	_ =	shalt  }
0x69: {  	_ =	shalt  }
0x6a: {  	_ =	shalt  }
0x6b: {  	_ =	shalt  }
0x6c: {  	_ =	shalt  }
0x6d: {  	_ =	shalt  }
0x6e: {  	_ =	shalt  }
0x6f: {  	_ =	shalt  }
0x70: {  	_ =	shalt  }
0x71: {  	_ =	shalt  }
0x72: {  	_ =	shalt  }
0x73: {  	_ =	shalt  }
0x74: {  	_ =	shalt  }
0x75: {  	_ =	shalt  }
0x76: {  	_ =	shalt  }
0x77: {  	_ =	shalt  }
0x78: {  	_ =	shalt  }
0x79: {  	_ =	shalt  }
0x7a: {  	_ =	shalt  }
0x7b: {  	_ =	shalt  }
0x7c: {  	_ =	shalt  }
0x7d: {  	_ =	shalt  }
0x7e: {  	_ =	shalt  }
0x7f: {  	_ =	shalt  }
0x80: {  	_ =	shalt  }
0x81: {  	_ =	shalt  }
0x82: {  	_ =	shalt  }
0x83: {  	_ =	shalt  }
0x84: {  	_ =	shalt  }
0x85: {  	_ =	shalt  }
0x86: {  	_ =	shalt  }
0x87: {  	_ =	shalt  }
.Lfunc_end0:
.L_simem_size_0:
called_computation_lowered:
.L_overlay_start_0:
0x88: {  	s2 =	sld [smem:$0x3FD9]  }
0x89: {  	s3 =	sld [smem:$0x3FFE];
	_ =	sdelay $0x1  }
0x8a: {  	s1 =	srdreg.scid  }
0x8b: {  	s0 =	sand.u32 $0x1, s1  }
0x8c: {  	s17 =	sshll.u32 s0, $0xA;
	s2 =	sadd.s32 s3, s2  }
0x8d: {  	s2 =	sadd.s32 s2, s17  }
0x8e: {  	[smem:$0x3FBA] =	sst s2  }
0x8f: {  	_ = 	snop  }
0x90: {  	s2 =	sld [smem:$0x3FC9]  }
0x91: {  	s18 =	sld [smem:$0x3FC8]  }
0x92: {  	s4 =	sld [smem:$0x3FC7]  }
0x93: {  	s5 =	sld [smem:$0x3FC5]  }
0x94: {  	s6 =	sld [smem:$0x3FC3]  }
0x95: {  	s7 =	sld [smem:$0x3FD0];
	(tm) =	ssettm $0x1  }
0x96: {  	s8 =	sld [smem:$0x3FFB];
	_ =	sdelay $0x3  }
0x97: {  	_ =	strace s8  }
0x98: {  	s8 =	sld [smem:$0x3FFC];
	_ =	sdelay $0x3  }
0x99: {  	_ =	strace s8  }
0x9a: {  	s8 =	sld [smem:$0x3FFD];
	_ =	sdelay $0x3  }
0x9b: {  	_ =	strace s8  }
0x9c: {  	_ =	strace $0x8FFFFFFF  }
0x9d: {  	s19 =	sld [smem:$0x3FDB];
	_ =	sdelay $0x1  }
0x9e: {  	s9 =	simm.s32 $_scs_section_size  }
0x9f: {  	s10 =	simm.s32 $_size__tile_overlayer_lowered;
	s11 =	simm.s32 $_tile_overlayer_lowered  }
0xa0: {  	s22 =	simm.s32 $0x1BFF;
	s21 =	sshll.u32 s11, $0x1;
	s8 =	sadd.s32 s9, s19  }
0xa1: {  	s12 =	simm.s32 $0x0;
	s20 =	sshll.u32 s10, $0x1;
	s10 =	sadd.s32 s21, s8  }
0xa2: {  	[timem:s12], [sflag:s22] =	dma.local [hbm:s10], s20  }
0xa3: {  	_ =	swait.ge [sflag:s22], s20  }
0xa4: {  	s9 =	ssub.s32 $0x0, s20;
	[sflag:s22] =	ssyncset.done $0x0  }
0xa5: {  	[sflag:s22] =	ssyncadd.s32 s9;
	_ =	sdelay $0x1  }
0xa6: {  	s23 =	simm.s32 $0x1B8B  }
0xa7: {  	_ =	swait.ge [sflag:s23], $0x1  }
0xa8: {  	[sflag:s23] =	ssyncset.done $0x0  }
0xa9: {  	s25 =	simm.s32 $0x1B8E;
	s24 =	sld [smem:$0x3FFE];
	[sflag:s23] =	ssyncadd.s32 $0xFFFFFFFF  }
0xaa: {  	s26 =	simm.s32 $execute0_lowered;
	[smem:$0x3FD2] =	sst s25  }
0xab: {  	s10 =	sshll.u32 s26, $0x1;
	_ =	strace $0x80000046;
	[dreg:$0x1] =	wrdreg $0xFFFFFFFF  }
0xac: {  	s28 =	simm.s32 $_size_execute0_lowered;
	s8 =	sadd.s32 s8, s10;
	[dreg:$0x0] =	wrdreg $0x0  }
0xad: {  	s10 =	sshll.u32 s28, $0x1;
	[dreg:$0x2] =	wrdreg s8  }
0xae: {  	[dreg:$0x3] =	wrdreg s10  }
0xaf: {  	[dreg:$0x4] =	wrdreg $0xC0  }
0xb0: {  	_ =	task [dreg:s12], $0x5FFFF  }
0xb1: {  	[dreg:$0x1] =	wrdreg $0xFFFFFFFF  }
0xb2: {  	[dreg:$0x0] =	wrdreg $0x60  }
0xb3: {  	[dreg:$0x2] =	wrdreg s24  }
0xb4: {  	[dreg:$0x3] =	wrdreg s5  }
0xb5: {  	[dreg:$0x4] =	wrdreg s6  }
0xb6: {  	[dreg:$0x5] =	wrdreg s2  }
0xb7: {  	[dreg:$0x6] =	wrdreg s18  }
0xb8: {  	[dreg:$0x7] =	wrdreg s4  }
0xb9: {  	[dreg:$0x8] =	wrdreg s7  }
0xba: {  	[dreg:$0x9] =	wrdreg $0x9  }
0xbb: {  	_ =	task.clear_ibuf [dreg:s12], $0xAFFFF;
	_ =	strace $0x90000046  }
0xbc: {  	s29 =	simm.s32 $0x9;
	_ =	strace $0x80000048  }
0xbd: {  	_ =	swait.ge [sflag:s29], $0x1  }
0xbe: {  	[sflag:s29] =	ssyncadd.s32 $0xFFFFFFFF  }
0xbf: {  	_ =	strace $0x90000048  }
0xc0: {  	_ =	sfence  }
0xc1: {  	s30 =	sld [smem:$0x0];
	_ =	sdelay $0x2  }
0xc2: {  	s31 =	sshll.u32 s1, $0xD;
	s1 =	sshrl.u32 s1, $0x2  }
0xc3: {  	s3 =	sand.u32 $0x4000, s31;
	s1 =	sadd.s32 s1, s30  }
0xc4: {  	s0 =	sor.u32 s3, s0;
	s1 =	sshll.u32 s1, $0x11  }
0xc5: {  	s0 =	sor.u32 s1, s0  }
0xc6: {  	s0 =	sadd.s32 $0x8F2B, s0  }
0xc7: {  	[sflag:s0] =	ssyncadd.remote.s32 $0x1  }
0xc8: {  	_ =	sfence.sel $0xFFFF  }
0xc9: {  	[dreg:$0x0] =	wrdreg $0xFFFFFFFF;
	(pc) =	sbr.abs _section_cstart, $3  }
0xca: {  	[dreg:$0x1] =	wrdreg $0xFFFFFFFF  }
0xcb: {  	_ =	task.clear_ibuf [dreg:s12], $0x2FFFF;
	_ =	strace $0x9FFFFFFF  }
0xcc: {  	(tm) =	ssettm $0x7FFFFFFF  }
0xcd: {  	_ =	shalt  }
tec
execute0_lowered:
.L_overlay_start_1:
0x0: {  	(tag) =	ssettag $0x1  }
0x1: {  	s1 =	rddreg [dreg:$0x0]  }
0x2: {  	s2 =	rddreg [dreg:$0x1]  }
0x3: {  	s3 =	rddreg [dreg:$0x2];
	s5 =	simm.s32 $0x0;
	s4 =	stileid.u32  }
0x4: {  	s24 =	srdreg.scid;
	s21 =	simm.s32 $0xEB80;
	s29 =	simm.s32 $0x10  }
0x5: {  	s30 =	simm.s32 $0xF580;
	s31 =	simm.s32 $0x1;
	[smem:$0x7FF] =	sst s5  }
0x6: {  	v0 =	vimm.s32 $0xBA98FEDC;
	s7 =	sadd.s32 $0x1C00, s1;
	s8 =	sadd.s32 $0x15600, s1;
	s0 =	sadd.s32 $0x29400, s1  }
0x7: {  	v1 =	vimm.s32 $0x32107654;
	s9 =	sadd.s32 $0x29600, s1;
	_ =	strace $0x80000047;
	[dreg:$0x8] =	wrdreg s0  }
0x8: {  	s6 =	sadd.s32 $0x29000, s1;
	s10 =	sadd.s32 $0x29800, s1;
	v2 =	vunpack.c.l.s4.s8 v0;
	v1 =	vunpack.c.l.s4.s8 v1;
	[dreg:$0x9] =	wrdreg s9  }
0x9: {  	v3 =	vimm.s32 $0x76543210;
	s22 =	smul.u32 $0x4E20, s4;
	s23 =	sadd.s32 $0x29A00, s1;
	[dreg:$0xa] =	wrdreg s10  }
0xa: {  	v4 =	vimm.s32 $0xFEDCBA98;
	s11 =	sadd.s32 $0x29C00, s1;
	s28 =	sshll.u32 s4, $0x4;
	[dreg:$0xb] =	wrdreg s23;
	v2 =	vunpack.c.0.s8.s32 v2;
	v1 =	vunpack.c.0.s8.s32 v1  }
0xb: {  	vm0 =	vmmov $0x1;
	v5 =	vimm.s32 $0xDCFE98BA;
	v7 =	vimm.s32 $0x67452301;
	p1 =	sne.s32 s4, $0x0;
	s4 =	simm.s32 $0xFD80;
	[dreg:$0xc] =	wrdreg s11  }
0xc: {  	v4 =	vunpack.c.l.s4.s8 v4;
	v7 =	vunpack.c.l.s4.s8 v7;
	s10 =	sand.u32 $0x1, s24;
	s23 =	simm.s32 $0xEC80;
	s24 =	simm.s32 $0x4E80;
	v6 =	vcombine.low v1, v2  }
0xd: {  	s25 =	sshrl.u32 s22, $0x3;
	s26 =	sshll.u32 s10, $0x8;
	s12 =	ssub.s32 $0x2, s10;
	v1 =	vunpack.c.l.s4.s8 v5;
	v2 =	vimm.s32 $0x54761032;
	v5 =	vimm.s32 $0xEFCDAB89  }
0xe: {  	v0 =	vmov s22;
	p0 =	sne.s32 s10, $0x0;
	s22 =	simm.s32 $0x2;
	s16 =	sadd.s32 $0x9C40, s25;
	v2 =	vunpack.c.l.s4.s8 v2;
	v5 =	vunpack.c.l.s4.s8 v5  }
0xf: {  	v3 =	vunpack.c.l.s4.s8 v3;
	v4 =	vunpack.c.0.s8.s32 v4;
	v7 =	vunpack.c.0.s8.s32 v7;
	s9 =	sadd.s32 s26, s1;
	s13 =	sshrl.u32 s12, $0x1;
	s14 =	sadd.s32 s3, s25  }
.Ltmp0:
0x10: {  	s1 =	sadd.s32 $0x29014, s1;
	s15 =	sadd.s32 s7, s25;
	v1 =	vunpack.c.0.s8.s32 v1;
	v2 =	vunpack.c.0.s8.s32 v2;
	v5 =	vunpack.c.0.s8.s32 v5;
	(pc) =	sbr.rel .LBB2_1-.Ltmp0, $4  }
0x11: {  	vm1 =	vcmask $0x3F08;
	vm2 =	vmmov $0x3f;
	v3 =	vunpack.c.0.s8.s32 v3;
	s18 =	sadd.s32 s2, s25;
	s26 =	simm.s32 $0xED80;
	s20 =	ssub.s32 s12, s13  }
0x12: {  	s12 =	sadd.s32 s8, s25;
	s13 =	sadd.s32 s8, s16;
	s16 =	sadd.s32 s7, s16;
	v4 =	vand.u32 $0xF, v4;
	v8 =	vcombine.low v2, v1;
	v7 =	vcombine.low v7, v5  }
0x13: {  	s17 =	sadd.s32 $0x29200, s9;
	s6 =	smov.u32 @p0 s1;
	s25 =	simm.s32 $0xED00;
	v3 =	vcombine.low v4, v3;
	v4 =	vand.u32 $0xF, v6;
	v1 =	vlaneseq.u32  }
0x14: {  	s1 =	simm.s32 $0x0;
	s19 =	sadd.s32 s28, s17;
	s20 =	smax.u32 s20, $0x1;
	v2 =	vimm.s32 $0xFFFFFF81;
	v5 =	vand.u32 $0xF, v8;
	v6 =	vand.u32 $0xF, v7  }
.LBB2_9:
.Ltmp1:
0x15: {  	(pc) =	sbr.rel @!p1 .LBB2_10-.Ltmp1, $3  }
0x16: {  	_ =	sdelay $0x1  }
0x17: {  	v7 =	vnsel vm2, $0x0, v7  }
0x18: {  	[tilespmem:$0xFD80] =	vst v7  }
.LBB2_14:
0x19: {  	s1 =	sadd.s32 $0x1, s1  }
0x1a: {  	p2 =	sne.s32 s1, s20  }
.Ltmp2:
0x1b: {  	_ = 	snop;
	(pc) =	sbr.rel @!p2 .LBB2_15-.Ltmp2, $1  }
0x1c: {  	_ =	sdelay $0x3  }
.LBB2_1:
0x1d: {  	s0 =	simm.s32 @p0 $0x0;
	s2 =	simm.s32 @p0 $0x2  }
0x1e: {  	[tilespmem:s0], [sflag:$0x2] =	stream.linear.gather @p0 [hbm4b:s12+s0], $0x4E20, $0x38;
	[tilespmem:$0xFE80] =	vst v63  }
0x1f: {  	_ =	swait.ge @p0 [sflag:s2], $0x4E20  }
0x20: {  	[sflag:s2] =	ssyncset.done @p0 $0x0  }
0x21: {  	s3 =	simm.s32 @p0 $0x4E80;
	[sflag:s2] =	ssyncadd.s32 @p0 $0xFFFFB1E0  }
0x22: {  	[tilespmem:s3], [sflag:$0x2] =	stream.linear.gather @p0 [hbm4b:s13+s0], $0x4E20, $0x38;
	[tilespmem:$0xFE80] =	vst v63  }
0x23: {  	_ =	swait.ge @p0 [sflag:s2], $0x4E20  }
0x24: {  	[sflag:s2] =	ssyncset.done @p0 $0x0  }
0x25: {  	s3 =	simm.s32 @p0 $0x9D00;
	[sflag:s2] =	ssyncadd.s32 @p0 $0xFFFFB1E0  }
0x26: {  	[tilespmem:s3], [sflag:$0x2] =	stream.linear.gather @p0 [hbm4b:s14+s0], $0x4E20, $0x38;
	[tilespmem:$0xFE80] =	vst v63  }
0x27: {  	_ =	swait.ge @p0 [sflag:s2], $0x4E20  }
0x28: {  	[sflag:s2] =	ssyncset.done @p0 $0x0  }
0x29: {  	s0 =	simm.s32 @!p0 $0x0;
	[sflag:s2] =	ssyncadd.s32 @p0 $0xFFFFB1E0;
	s2 =	simm.s32 @!p0 $0x2  }
0x2a: {  	[tilespmem:s0], [sflag:$0x2] =	stream.linear.gather @!p0 [hbm4b:s15+s0], $0x4E20, $0x38;
	[tilespmem:$0xFE80] =	vst v63  }
0x2b: {  	_ =	swait.ge @!p0 [sflag:s2], $0x4E20  }
0x2c: {  	[sflag:s2] =	ssyncset.done @!p0 $0x0  }
0x2d: {  	s3 =	simm.s32 @!p0 $0x4E80;
	[sflag:s2] =	ssyncadd.s32 @!p0 $0xFFFFB1E0  }
0x2e: {  	[tilespmem:s3], [sflag:$0x2] =	stream.linear.gather @!p0 [hbm4b:s16+s0], $0x4E20, $0x38;
	[tilespmem:$0xFE80] =	vst v63  }
0x2f: {  	_ =	swait.ge @!p0 [sflag:s2], $0x4E20  }
0x30: {  	[sflag:s2] =	ssyncset.done @!p0 $0x0  }
0x31: {  	s3 =	simm.s32 @!p0 $0x9D00;
	[sflag:s2] =	ssyncadd.s32 @!p0 $0xFFFFB1E0  }
0x32: {  	[tilespmem:s3], [sflag:$0x2] =	stream.linear.gather @!p0 [hbm4b:s18+s0], $0x4E20, $0x38;
	[tilespmem:$0xFE80] =	vst v63  }
0x33: {  	_ =	swait.ge @!p0 [sflag:s2], $0x4E20  }
0x34: {  	[sflag:s2] =	ssyncset.done @!p0 $0x0  }
0x35: {  	[sflag:s2] =	ssyncadd.s32 @!p0 $0xFFFFB1E0  }
0x36: {  	[tilespmem:s21], [sflag:$0x2] =	stream.linear.gather [hbm4b:s6+s5], $0xA0, $0x38;
	[tilespmem:$0xFE80] =	vst v63  }
0x37: {  	_ =	swait.ge [sflag:s22], $0xA0  }
0x38: {  	[sflag:s22] =	ssyncset.done $0x0  }
0x39: {  	[sflag:s22] =	ssyncadd.s32 $0xFFFFFF60  }
0x3a: {  	s28 =	rddreg [dreg:$0x6]  }
0x3b: {  	[tilespmem:s23], [sflag:$0x2] =	stream.linear.gather [hbm4b:s28+s5], $0x80, $0x38;
	[tilespmem:$0xFE80] =	vst v63  }
0x3c: {  	_ =	swait.ge [sflag:s22], $0x80  }
0x3d: {  	[sflag:s22] =	ssyncset.done $0x0  }
0x3e: {  	[sflag:s22] =	ssyncadd.s32 $0xFFFFFF80  }
0x3f: {  	v8 =	vld [tilespmem:$0xEC80]  }
.Ltmp3:
0x40: {  	_ = 	snop;
	(pc) =	sbr.rel .LBB2_2-.Ltmp3, $2  }
0x41: {  	_ =	sdelay $0x2  }
0x42: {  	s2 =	simm.s32 $0x0;
	v7 =	vnsel vm0, $0x0, v8  }
.LBB2_8:
0x43: {  	v8 =	vperm.xlane v12, v3;
	_ =	sdelay $0x1  }
0x44: {  	v8 =	vmax.f32 v12, v8  }
0x45: {  	v9 =	vperm.xlane v8, v4;
	_ =	sdelay $0x1  }
0x46: {  	v8 =	vmax.f32 v8, v9  }
0x47: {  	v9 =	vperm.xlane v8, v5;
	_ =	sdelay $0x1  }
0x48: {  	v8 =	vmax.f32 v8, v9  }
0x49: {  	v9 =	vperm.xlane v8, v6;
	_ =	sdelay $0x1  }
0x4a: {  	v8 =	vmax.f32 v8, v9  }
0x4b: {  	vm3 =	veq.f32 v12, v8  }
0x4c: {  	v9 =	vmctz.xlane vm3;
	_ =	sdelay $0x1  }
0x4d: {  	v9 =	vperm.xlane v10, v9;
	_ =	sdelay $0x5  }
0x4e: {  	v9 =	vld.idx.msk [tilespmem:v9+s24+$0x0], $0xffff;
	_ =	sdelay $0x4  }
0x4f: {  	v9 =	vsel vm1, $0x0, v9  }
0x50: {  	v8 =	vsel vm0, v8, v9  }
0x51: {  	[tilespmem:$0xED00] =	vst v8  }
0x52: {  	[hbm4b:s19+s5] =	stream.linear.scatter [tilespmem:s25], [sflag:$0x2], $0x80, $0x38;
	[tilespmem:$0xFE80] =	vst v63  }
0x53: {  	_ =	swait.ge [sflag:s22], $0x80  }
0x54: {  	[sflag:s22] =	ssyncset.done $0x0  }
0x55: {  	v8 =	vmul.u32 $0x80, v1;
	[sflag:s22] =	ssyncadd.s32 $0xFFFFFF80  }
0x56: {  	[bflag:$0x0] =	sbarrier.arrive $0xFFFF  }
0x57: {  	[tilespmem:s26], [sflag:$0x2] =	stream.linear.gather [hbm4b:s17+s5], $0x800, $0x38;
	[tilespmem:$0xFE80] =	vst v63  }
0x58: {  	_ =	swait.ge [sflag:s22], $0x800  }
0x59: {  	[sflag:s22] =	ssyncset.done $0x0  }
0x5a: {  	[sflag:s22] =	ssyncadd.s32 $0xFFFFF800  }
0x5b: {  	v9 =	vld.idx.msk [tilespmem:v8+s26+$0x0], $0xffff;
	_ =	sdelay $0x4  }
0x5c: {  	v10 =	vperm.xlane v9, v3;
	_ =	sdelay $0x1  }
0x5d: {  	v10 =	vmax.f32 v9, v10  }
0x5e: {  	v11 =	vperm.xlane v10, v4;
	_ =	sdelay $0x1  }
0x5f: {  	v8 =	vor.u32 $0x1, v8;
	v10 =	vmax.f32 v10, v11  }
0x60: {  	v11 =	vperm.xlane v10, v5;
	_ =	sdelay $0x1  }
0x61: {  	v10 =	vmax.f32 v10, v11  }
0x62: {  	v11 =	vperm.xlane v10, v6  }
0x63: {  	v8 =	vld.idx.msk [tilespmem:v8+s26+$0x0], $0xffff  }
0x64: {  	s2 =	sadd.s32 $0x1, s2;
	v10 =	vmax.f32 v10, v11  }
0x65: {  	p2 =	sne.s32 s2, $0x5;
	vm3 =	veq.f32 v10, v9  }
.Ltmp4:
0x66: {  	v9 =	vmctz.xlane vm3;
	(pc) =	sbr.rel @!p2 .LBB2_9-.Ltmp4, $4  }
0x67: {  	_ = 	snop  }
0x68: {  	v8 =	vperm.xlane v8, v9;
	v9 =	vmov s2  }
0x69: {  	[bflag:$0x0] =	sbarrier.arrive $0xFFFF;
	vm3 =	veq.s32 v9, v1  }
0x6a: {  	v7 =	vsel vm3, v8, v7  }
.LBB2_2:
0x6b: {  	s0 =	sshll.u32 s2, $0x5  }
0x6c: {  	s0 =	sand.u32 $0x3FFFFFE0, s0  }
0x6d: {  	v9 =	vld [tilespmem:s0+$0xEB80]  }
0x6e: {  	v11 =	vld [tilespmem:s0+$0xEB90];
	_ =	sdelay $0x2  }
.Ltmp5:
0x6f: {  	_ = 	snop;
	(pc) =	sbr.rel .LBB2_3-.Ltmp5, $4  }
0x70: {  	v12 =	vimm.f32 $-Inf  }
0x71: {  	v10 =	vxor.u32 v11, v9;
	v14 =	vadd.s32 v0, v11;
	v16 =	vadd.s32 $0x2, v9  }
0x72: {  	s10 =	simm.s32 $0x0;
	v17 =	vadd.s32 $0x3, v11;
	v19 =	vadd.s32 $0x5, v9;
	v13 =	vxor.u32 $0x1BD11BDA, v10  }
0x73: {  	s7 =	simm.s32 $0x9D00;
	s8 =	simm.s32 $0x0;
	s9 =	simm.s32 $0x0;
	v10 =	vimm.s32 $0x0;
	v15 =	vadd.s32 $0x1, v13;
	v18 =	vadd.s32 $0x4, v13  }
.LBB2_7:
0x74: {  	s9 =	sadd.s32 $0x1, s9  }
0x75: {  	p2 =	sne.s32 s9, $0x7D  }
.Ltmp6:
0x76: {  	_ = 	snop;
	(pc) =	sbr.rel @!p2 .LBB2_8-.Ltmp6, $2  }
0x77: {  	_ =	sdelay $0x2  }
0x78: {  	s8 =	sadd.s32 $0xA0, s8;
	s7 =	sadd.s32 $0xA0, s7;
	s10 =	sadd.s32 $0xA0, s10  }
.LBB2_3:
0x79: {  	s0 =	smul.u32 $0xA0, s9;
	_ =	sdelay $0x1  }
0x7a: {  	v20 =	vld [tilespmem:s0+$0x0]  }
0x7b: {  	v21 =	vld [tilespmem:s0+$0x10]  }
0x7c: {  	v22 =	vld [tilespmem:s0+$0x20]  }
0x7d: {  	v23 =	vld [tilespmem:s0+$0x30]  }
0x7e: {  	v24 =	vld [tilespmem:s0+$0x40]  }
0x7f: {  	v25 =	vld [tilespmem:s0+$0x50]  }
0x80: {  	vm3 =	veq.s32 v20, v8;
	vm4 =	veq.s32 v21, v8;
	v20 =	vld [tilespmem:s0+$0x60]  }
0x81: {  	v61 =	vld [tilespmem:s0+$0x70];
	s3 =	sand.u32 $0x7FE0, s0;
	vm5 =	veq.s32 v22, v8;
	vm3 =	vmor vm3, vm4  }
0x82: {  	v62 =	vld [tilespmem:s3+$0x80];
	vm9 =	veq.s32 v23, v8;
	vm3 =	vmor vm3, vm5  }
0x83: {  	v63 =	vld [tilespmem:s0+$0x90];
	vm10 =	veq.s32 v24, v8;
	vm3 =	vmor vm3, vm9  }
0x84: {  	vm11 =	veq.s32 v25, v8;
	vm3 =	vmor vm3, vm10  }
0x85: {  	vm12 =	veq.s32 v20, v8;
	vm3 =	vmor vm3, vm11  }
0x86: {  	vm13 =	veq.s32 v61, v8;
	vm3 =	vmor vm3, vm12  }
0x87: {  	vm14 =	veq.s32 v62, v8;
	vm3 =	vmor vm3, vm13  }
0x88: {  	vm15 =	veq.s32 v63, v8;
	vm3 =	vmor vm3, vm14  }
0x89: {  	vm3 =	vmor vm3, vm15  }
0x8a: {  	v20 =	vmpcnt.ones.xlane vm3;
	_ =	sdelay $0x1  }
0x8b: {  	(v2sf) =	vpush v20, $0x0;
	_ =	sdelay $0xe  }
0x8c: {  	s28 =	spop (v2sf)  }
0x8d: {  	p2 =	slt.s32 s28, $0x1  }
.Ltmp7:
0x8e: {  	_ = 	snop;
	(pc) =	sbr.rel @!p2 .LBB2_4-.Ltmp7, $4  }
.Ltmp8:
0x8f: {  	_ = 	snop;
	(pc) =	sbr.rel @p2 .LBB2_7-.Ltmp8, $4  }
0x90: {  	_ = 	snop  }
0x91: {  	_ = 	snop  }
0x92: {  	s11 =	simm.s32 $0x0;
	s3 =	smov.u32 s10  }
0x93: {  	_ = 	snop  }
.LBB2_6:
0x94: {  	s11 =	sadd.s32 $0x40, s11  }
0x95: {  	p2 =	sne.s32 s11, $0x280  }
.Ltmp9:
0x96: {  	_ = 	snop;
	(pc) =	sbr.rel @!p2 .LBB2_7-.Ltmp9, $2  }
0x97: {  	_ =	sdelay $0x2  }
0x98: {  	s3 =	sadd.s32 $0x10, s3  }
.LBB2_4:
0x99: {  	s0 =	sshra.s32 s11, $0x2  }
0x9a: {  	s28 =	sadd.s32 s0, s8  }
0x9b: {  	v20 =	vld [tilespmem:s28+$0x0];
	_ =	sdelay $0x4  }
0x9c: {  	vm3 =	veq.s32 v20, v8  }
0x9d: {  	v20 =	vmpcnt.ones.xlane vm3;
	_ =	sdelay $0x1  }
0x9e: {  	(v2sf) =	vpush v20, $0x0;
	_ =	sdelay $0xe  }
0x9f: {  	s28 =	spop (v2sf)  }
0xa0: {  	p2 =	slt.s32 s28, $0x1  }
.Ltmp10:
0xa1: {  	_ = 	snop;
	(pc) =	sbr.rel @p2 .LBB2_6-.Ltmp10, $1  }
0xa2: {  	_ =	sdelay $0x3  }
0xa3: {  	v20 =	vor.u32 s3, v1  }
0xa4: {  	v21 =	vadd.s32 v20, v14  }
0xa5: {  	v22 =	vshrl.u32 v21, $0x13;
	v23 =	vshll.u32 v21, $0xD  }
0xa6: {  	v21 =	vadd.s32 v9, v21;
	v22 =	vor.u32 v22, v23  }
0xa7: {  	v22 =	vxor.u32 v22, v21  }
0xa8: {  	v33 =	vshrl.u32 v22, $0x11;
	v24 =	vshll.u32 v22, $0xF  }
0xa9: {  	v21 =	vadd.s32 v21, v22;
	v34 =	vor.u32 v33, v24  }
0xaa: {  	v22 =	vxor.u32 v34, v21  }
0xab: {  	v35 =	vshrl.u32 v22, $0x6;
	v36 =	vshll.u32 v22, $0x1A  }
0xac: {  	v21 =	vadd.s32 v21, v22;
	v37 =	vor.u32 v35, v36  }
0xad: {  	v22 =	vxor.u32 v37, v21  }
0xae: {  	v38 =	vshrl.u32 v22, $0x1A;
	v39 =	vshll.u32 v22, $0x6  }
0xaf: {  	v21 =	vadd.s32 v21, v22;
	v40 =	vor.u32 v38, v39  }
0xb0: {  	v22 =	vxor.u32 v40, v21  }
0xb1: {  	v22 =	vadd.s32 v22, v15  }
0xb2: {  	v21 =	vadd.s32 v11, v21;
	v41 =	vshrl.u32 v22, $0xF;
	v42 =	vshll.u32 v22, $0x11  }
0xb3: {  	v21 =	vadd.s32 v22, v21;
	v43 =	vor.u32 v41, v42  }
0xb4: {  	v22 =	vxor.u32 v43, v21  }
0xb5: {  	v44 =	vshrl.u32 v22, $0x3;
	v45 =	vshll.u32 v22, $0x1D  }
0xb6: {  	v21 =	vadd.s32 v21, v22;
	v46 =	vor.u32 v44, v45  }
0xb7: {  	v22 =	vxor.u32 v46, v21  }
0xb8: {  	v47 =	vshrl.u32 v22, $0x10;
	v48 =	vshll.u32 v22, $0x10  }
0xb9: {  	v21 =	vadd.s32 v21, v22;
	v49 =	vor.u32 v47, v48  }
0xba: {  	v22 =	vxor.u32 v49, v21  }
0xbb: {  	v50 =	vshrl.u32 v22, $0x8;
	v51 =	vshll.u32 v22, $0x18  }
0xbc: {  	v21 =	vadd.s32 v21, v22;
	v52 =	vor.u32 v50, v51  }
0xbd: {  	v22 =	vxor.u32 v52, v21  }
0xbe: {  	v22 =	vadd.s32 v22, v16  }
0xbf: {  	v21 =	vadd.s32 v13, v21;
	v53 =	vshrl.u32 v22, $0x13;
	v54 =	vshll.u32 v22, $0xD  }
0xc0: {  	v21 =	vadd.s32 v22, v21;
	v55 =	vor.u32 v53, v54  }
0xc1: {  	v22 =	vxor.u32 v55, v21  }
0xc2: {  	v56 =	vshrl.u32 v22, $0x11;
	v57 =	vshll.u32 v22, $0xF  }
0xc3: {  	v21 =	vadd.s32 v21, v22;
	v58 =	vor.u32 v56, v57  }
0xc4: {  	v22 =	vxor.u32 v58, v21  }
0xc5: {  	v59 =	vshrl.u32 v22, $0x6;
	v60 =	vshll.u32 v22, $0x1A  }
0xc6: {  	v21 =	vadd.s32 v21, v22;
	v61 =	vor.u32 v59, v60  }
0xc7: {  	v22 =	vxor.u32 v61, v21  }
0xc8: {  	v62 =	vshrl.u32 v22, $0x1A;
	v63 =	vshll.u32 v22, $0x6  }
0xc9: {  	v21 =	vadd.s32 v21, v22;
	v27 =	vor.u32 v62, v63  }
0xca: {  	v22 =	vxor.u32 v27, v21  }
0xcb: {  	v22 =	vadd.s32 v22, v17  }
0xcc: {  	v21 =	vadd.s32 v9, v21;
	v28 =	vshrl.u32 v22, $0xF;
	v29 =	vshll.u32 v22, $0x11  }
0xcd: {  	v21 =	vadd.s32 v22, v21;
	v30 =	vor.u32 v28, v29  }
0xce: {  	v22 =	vxor.u32 v30, v21  }
0xcf: {  	v31 =	vshrl.u32 v22, $0x3;
	v32 =	vshll.u32 v22, $0x1D  }
0xd0: {  	v21 =	vadd.s32 v21, v22;
	v33 =	vor.u32 v31, v32  }
0xd1: {  	v22 =	vxor.u32 v33, v21  }
0xd2: {  	v34 =	vshrl.u32 v22, $0x10;
	v35 =	vshll.u32 v22, $0x10  }
0xd3: {  	v21 =	vadd.s32 v21, v22;
	v36 =	vor.u32 v34, v35  }
0xd4: {  	v22 =	vxor.u32 v36, v21  }
0xd5: {  	v37 =	vshrl.u32 v22, $0x8;
	v38 =	vshll.u32 v22, $0x18  }
0xd6: {  	v21 =	vadd.s32 v21, v22;
	v39 =	vor.u32 v37, v38  }
0xd7: {  	v22 =	vxor.u32 v39, v21  }
0xd8: {  	v22 =	vadd.s32 v22, v18  }
0xd9: {  	v21 =	vadd.s32 v11, v21;
	v40 =	vshrl.u32 v22, $0x13;
	v41 =	vshll.u32 v22, $0xD  }
0xda: {  	v21 =	vadd.s32 v22, v21;
	v42 =	vor.u32 v40, v41  }
0xdb: {  	v22 =	vxor.u32 v42, v21  }
0xdc: {  	v43 =	vshrl.u32 v22, $0x11;
	v44 =	vshll.u32 v22, $0xF  }
0xdd: {  	v21 =	vadd.s32 v21, v22;
	v45 =	vor.u32 v43, v44  }
0xde: {  	v22 =	vxor.u32 v45, v21  }
0xdf: {  	v46 =	vshrl.u32 v22, $0x6;
	v47 =	vshll.u32 v22, $0x1A  }
0xe0: {  	v21 =	vadd.s32 v21, v22;
	v48 =	vor.u32 v46, v47  }
0xe1: {  	v22 =	vxor.u32 v48, v21  }
0xe2: {  	v49 =	vshrl.u32 v22, $0x1A;
	v50 =	vshll.u32 v22, $0x6  }
0xe3: {  	v21 =	vadd.s32 v21, v22;
	v51 =	vor.u32 v49, v50  }
0xe4: {  	v22 =	vxor.u32 v51, v21  }
0xe5: {  	v21 =	vadd.s32 v13, v21;
	v22 =	vadd.s32 v22, v19  }
0xe6: {  	v21 =	vxor.u32 v21, v22  }
0xe7: {  	v21 =	vshrl.u32 v21, $0x9  }
0xe8: {  	v21 =	vor.u32 $0x3F800000, v21  }
0xe9: {  	v21 =	vadd.f32 $-1.000000000e+00, v21;
	_ =	sdelay $0x1  }
0xea: {  	v21 =	vadd.f32 $1.175494350e-38, v21;
	_ =	sdelay $0x1  }
0xeb: {  	v52 =	vand.u32 $0x7FFFFF, v21  }
0xec: {  	v22 =	vor.u32 $0x3F800000, v52  }
0xed: {  	v53 =	vmul.f32 $5.000000000e-01, v22  }
0xee: {  	vm4 =	vgt.f32 v22, $1.414213540e+00  }
0xef: {  	v22 =	vsel vm4, v53, v22  }
0xf0: {  	v23 =	vadd.f32 $1.000000000e+00, v22;
	_ =	sdelay $0x1  }
0xf1: {  	(erf) = vrcp.f32 v23;
	_ =	sdelay $0x7  }
0xf2: {  	v22 =	vadd.f32 $-1.000000000e+00, v22  }
0xf3: {  	v23 =	vpop (erf)  }
0xf4: {  	v22 =	vmul.f32 v23, v22;
	_ =	sdelay $0x1  }
0xf5: {  	v23 =	vmul.f32 v22, v22;
	_ =	sdelay $0x1  }
0xf6: {  	v54 =	vmul.f32 $1.538461600e-01, v23;
	_ =	sdelay $0x1  }
0xf7: {  	v24 =	vadd.f32 $1.818181870e-01, v54;
	_ =	sdelay $0x1  }
0xf8: {  	v24 =	vmul.f32 v24, v23;
	_ =	sdelay $0x1  }
0xf9: {  	v24 =	vadd.f32 $2.222222240e-01, v24;
	_ =	sdelay $0x1  }
0xfa: {  	v24 =	vmul.f32 v24, v23;
	_ =	sdelay $0x1  }
0xfb: {  	v24 =	vadd.f32 $2.857142980e-01, v24;
	_ =	sdelay $0x1  }
0xfc: {  	v24 =	vmul.f32 v24, v23;
	_ =	sdelay $0x1  }
0xfd: {  	v24 =	vadd.f32 $4.000000060e-01, v24;
	_ =	sdelay $0x1  }
0xfe: {  	v24 =	vmul.f32 v24, v23;
	_ =	sdelay $0x1  }
0xff: {  	v24 =	vadd.f32 $6.666666860e-01, v24;
	_ =	sdelay $0x1  }
0x100: {  	v21 =	vshra.s32 v21, $0x17;
	v25 =	vsel vm4, $0xFFFFFF82, v2;
	v23 =	vmul.f32 v24, v23  }
0x101: {  	v21 =	vadd.s32 v21, v25  }
0x102: {  	v21 =	vcvt.s32.f32 v21;
	v55 =	vadd.f32 v22, v22;
	v22 =	vmul.f32 v23, v22;
	_ =	sdelay $0x1  }
0x103: {  	v56 =	vmul.f32 $9.058000610e-06, v21;
	v22 =	vadd.f32 v22, v55;
	_ =	sdelay $0x1  }
0x104: {  	v21 =	vmul.f32 $6.931381230e-01, v21;
	v22 =	vadd.f32 v22, v56;
	_ =	sdelay $0x1  }
0x105: {  	v21 =	vadd.f32 v22, v21;
	_ =	sdelay $0x1  }
0x106: {  	v21 =	vsub.f32 $0.0e+00, v21;
	_ =	sdelay $0x1  }
0x107: {  	(erf) = vrcp.f32 v21;
	_ =	sdelay $0x3  }
0x108: {  	s0 =	sadd.s32 s0, s7  }
0x109: {  	v57 =	vld [tilespmem:s0+$0x0];
	_ =	sdelay $0x3  }
0x10a: {  	v58 =	vpop (erf)  }
0x10b: {  	v21 =	vmul.f32 v57, v58;
	_ =	sdelay $0x1  }
0x10c: {  	v22 =	vand.u32 $0x7FFFFF, v21  }
0x10d: {  	v22 =	vor.u32 $0x3F800000, v22  }
0x10e: {  	v59 =	vmul.f32 $5.000000000e-01, v22  }
0x10f: {  	vm15 =	vgt.f32 v22, $1.414213540e+00  }
0x110: {  	v22 =	vsel vm15, v59, v22  }
0x111: {  	v23 =	vadd.f32 $1.000000000e+00, v22;
	_ =	sdelay $0x1  }
0x112: {  	(erf) = vrcp.f32 v23;
	_ =	sdelay $0x7  }
0x113: {  	v22 =	vadd.f32 $-1.000000000e+00, v22  }
0x114: {  	v23 =	vpop (erf)  }
0x115: {  	v22 =	vmul.f32 v23, v22;
	_ =	sdelay $0x1  }
0x116: {  	v23 =	vmul.f32 v22, v22;
	_ =	sdelay $0x1  }
0x117: {  	v60 =	vmul.f32 $1.538461600e-01, v23;
	_ =	sdelay $0x1  }
0x118: {  	v24 =	vadd.f32 $1.818181870e-01, v60;
	_ =	sdelay $0x1  }
0x119: {  	v24 =	vmul.f32 v24, v23;
	_ =	sdelay $0x1  }
0x11a: {  	v24 =	vadd.f32 $2.222222240e-01, v24;
	_ =	sdelay $0x1  }
0x11b: {  	v24 =	vmul.f32 v24, v23;
	_ =	sdelay $0x1  }
0x11c: {  	v24 =	vadd.f32 $2.857142980e-01, v24;
	_ =	sdelay $0x1  }
0x11d: {  	v24 =	vmul.f32 v24, v23;
	_ =	sdelay $0x1  }
0x11e: {  	v24 =	vadd.f32 $4.000000060e-01, v24;
	_ =	sdelay $0x1  }
0x11f: {  	v24 =	vmul.f32 v24, v23;
	_ =	sdelay $0x1  }
0x120: {  	v24 =	vadd.f32 $6.666666860e-01, v24;
	_ =	sdelay $0x1  }
0x121: {  	v21 =	vshra.s32 v21, $0x17;
	v61 =	vsel vm15, $0xFFFFFF82, v2;
	v23 =	vmul.f32 v24, v23  }
0x122: {  	v21 =	vadd.s32 v21, v61  }
0x123: {  	v21 =	vcvt.s32.f32 v21;
	v62 =	vadd.f32 v22, v22;
	v22 =	vmul.f32 v23, v22;
	_ =	sdelay $0x1  }
0x124: {  	v63 =	vmul.f32 $9.058000610e-06, v21;
	v22 =	vadd.f32 v22, v62;
	_ =	sdelay $0x1  }
0x125: {  	v21 =	vmul.f32 $6.931381230e-01, v21;
	v22 =	vadd.f32 v22, v63;
	_ =	sdelay $0x1  }
.Ltmp11:
0x126: {  	v21 =	vadd.f32 v22, v21;
	(pc) =	sbr.rel .LBB2_6-.Ltmp11, $4  }
0x127: {  	_ = 	snop  }
0x128: {  	v21 =	vnsel vm3, $0xFF800000, v21  }
0x129: {  	vm3 =	vgt.f32 v21, v12  }
0x12a: {  	v12 =	vsel vm3, v21, v12;
	v10 =	vsel vm3, v20, v10  }
.LBB2_10:
.Ltmp12:
0x12b: {  	(pc) =	sbr.rel @p0 .LBB2_12-.Ltmp12, $1  }
0x12c: {  	_ =	sdelay $0x3  }
0x12d: {  	s0 =	rddreg [dreg:$0x3];
	s2 =	simm.s32 $0x10;
	s3 =	simm.s32 $0xFD80  }
0x12e: {  	[tilespmem:s30], [sflag:$0x1] =	stream.indirect.gather [hbm4b:s0+s2], $0x80, s3, s2, $0xb8;
	[tilespmem:$0xFE80] =	vst v63  }
0x12f: {  	_ =	swait.ge [sflag:s31], $0x800  }
0x130: {  	[sflag:s31] =	ssyncset.done $0x0  }
0x131: {  	[sflag:s31] =	ssyncadd.s32 $0xFFFFF800  }
0x132: {  	v7 =	vld [tilespmem:$0xF580]  }
0x133: {  	v8 =	vld [tilespmem:$0xF600]  }
0x134: {  	v9 =	vld [tilespmem:$0xF680]  }
0x135: {  	v10 =	vld [tilespmem:$0xF700]  }
0x136: {  	v11 =	vld [tilespmem:$0xF780]  }
0x137: {  	v12 =	vld [tilespmem:$0xF800]  }
0x138: {  	v13 =	vld [tilespmem:$0xF590]  }
0x139: {  	v14 =	vld [tilespmem:$0xF610]  }
0x13a: {  	v15 =	vld [tilespmem:$0xF690]  }
0x13b: {  	v16 =	vld [tilespmem:$0xF710]  }
0x13c: {  	v17 =	vld [tilespmem:$0xF790]  }
0x13d: {  	v18 =	vld [tilespmem:$0xF810]  }
0x13e: {  	v19 =	vld [tilespmem:$0xF5A0]  }
0x13f: {  	v20 =	vld [tilespmem:$0xF620]  }
0x140: {  	v21 =	vld [tilespmem:$0xF6A0]  }
0x141: {  	v22 =	vld [tilespmem:$0xF720]  }
0x142: {  	v23 =	vld [tilespmem:$0xF7A0]  }
0x143: {  	v24 =	vld [tilespmem:$0xF820]  }
0x144: {  	v25 =	vld [tilespmem:$0xF5B0]  }
0x145: {  	v26 =	vld [tilespmem:$0xF630]  }
0x146: {  	v27 =	vld [tilespmem:$0xF6B0]  }
0x147: {  	v28 =	vld [tilespmem:$0xF730]  }
0x148: {  	v29 =	vld [tilespmem:$0xF7B0]  }
0x149: {  	v30 =	vld [tilespmem:$0xF830]  }
0x14a: {  	v31 =	vld [tilespmem:$0xF5C0]  }
0x14b: {  	v32 =	vld [tilespmem:$0xF640]  }
0x14c: {  	v33 =	vld [tilespmem:$0xF6C0]  }
0x14d: {  	v34 =	vld [tilespmem:$0xF740]  }
0x14e: {  	v35 =	vld [tilespmem:$0xF7C0]  }
0x14f: {  	v36 =	vld [tilespmem:$0xF840]  }
0x150: {  	v37 =	vld [tilespmem:$0xF5D0]  }
0x151: {  	v42 =	vld [tilespmem:$0xF6D0]  }
0x152: {  	v44 =	vld [tilespmem:$0xF750];
	v7 =	vadd.f32 v8, v7;
	v13 =	vadd.f32 v14, v13  }
0x153: {  	v46 =	vld [tilespmem:$0xF7D0];
	v43 =	vadd.f32 v20, v19;
	v45 =	vadd.f32 v26, v25  }
0x154: {  	v8 =	vld [tilespmem:$0xF650];
	v53 =	vadd.f32 v32, v31;
	v7 =	vadd.f32 v9, v7  }
0x155: {  	v47 =	vld [tilespmem:$0xF850];
	v13 =	vadd.f32 v15, v13;
	v9 =	vadd.f32 v21, v43  }
0x156: {  	v48 =	vld [tilespmem:$0xF5E0];
	v15 =	vadd.f32 v27, v45;
	v21 =	vadd.f32 v33, v53  }
0x157: {  	v49 =	vld [tilespmem:$0xF660];
	v7 =	vadd.f32 v10, v7;
	v13 =	vadd.f32 v16, v13  }
0x158: {  	v50 =	vld [tilespmem:$0xF5F0];
	v9 =	vadd.f32 v22, v9;
	v15 =	vadd.f32 v28, v15  }
0x159: {  	v51 =	vld [tilespmem:$0xF670];
	v58 =	vadd.f32 v34, v21;
	v8 =	vadd.f32 v8, v37  }
0x15a: {  	v52 =	vld [tilespmem:$0xF6E0];
	v7 =	vadd.f32 v11, v7;
	v13 =	vadd.f32 v17, v13  }
0x15b: {  	v54 =	vld [tilespmem:$0xF6F0];
	v9 =	vadd.f32 v23, v9;
	v15 =	vadd.f32 v29, v15  }
0x15c: {  	v55 =	vld [tilespmem:$0xF760];
	v11 =	vadd.f32 v49, v48;
	v8 =	vadd.f32 v42, v8  }
0x15d: {  	v56 =	vld [tilespmem:$0xF770];
	v7 =	vadd.f32 v12, v7;
	v13 =	vadd.f32 v18, v13  }
0x15e: {  	v57 =	vld [tilespmem:$0xF7E0];
	v9 =	vadd.f32 v24, v9;
	v12 =	vadd.f32 v51, v50  }
0x15f: {  	v59 =	vld [tilespmem:$0xF7F0];
	v15 =	vadd.f32 v30, v15;
	v11 =	vadd.f32 v52, v11  }
0x160: {  	v60 =	vld [tilespmem:$0xF860];
	v8 =	vadd.f32 v44, v8;
	v12 =	vadd.f32 v54, v12  }
0x161: {  	v61 =	vld [tilespmem:$0xF870];
	[tilespmem:$0xFE00] =	vst v7;
	v7 =	vadd.f32 v35, v58;
	v11 =	vadd.f32 v55, v11  }
0x162: {  	[tilespmem:$0xFE10] =	vst v13;
	v8 =	vadd.f32 v46, v8;
	v12 =	vadd.f32 v56, v12  }
0x163: {  	[tilespmem:$0xFE20] =	vst v9;
	v7 =	vadd.f32 v36, v7;
	v62 =	vadd.f32 v57, v11  }
0x164: {  	[tilespmem:$0xFE30] =	vst v15;
	v8 =	vadd.f32 v47, v8;
	v63 =	vadd.f32 v59, v12  }
0x165: {  	[tilespmem:$0xFE40] =	vst v7;
	v7 =	vadd.f32 v60, v62  }
0x166: {  	[tilespmem:$0xFE50] =	vst v8;
	v8 =	vadd.f32 v61, v63  }
0x167: {  	[tilespmem:$0xFE60] =	vst v7  }
0x168: {  	s4 =	simm.s32 $0xFE00;
	s10 =	rddreg [dreg:$0x8];
	[tilespmem:$0xFE70] =	vst v8  }
0x169: {  	[hbm4b:s10+s5] =	stream.linear.scatter [tilespmem:s4], [sflag:$0x2], $0x80, $0x38;
	[tilespmem:$0xFE80] =	vst v63  }
0x16a: {  	_ =	swait.ge [sflag:s22], $0x80  }
0x16b: {  	[sflag:s22] =	ssyncset.done $0x0  }
0x16c: {  	s11 =	rddreg [dreg:$0x9];
	[sflag:s22] =	ssyncadd.s32 $0xFFFFFF80  }
0x16d: {  	[hbm4b:s11+s5] =	stream.linear.scatter [tilespmem:s30], [sflag:$0x2], $0x80, $0x38;
	[tilespmem:$0xFE80] =	vst v63  }
0x16e: {  	_ =	swait.ge [sflag:s22], $0x80  }
0x16f: {  	[sflag:s22] =	ssyncset.done $0x0  }
0x170: {  	[sflag:s22] =	ssyncadd.s32 $0xFFFFFF80  }
.Ltmp13:
0x171: {  	s28 =	rddreg [dreg:$0x5];
	(pc) =	sbr.rel .LBB2_13-.Ltmp13, $4  }
0x172: {  	[tilespmem:s30], [sflag:$0x1] =	stream.indirect.gather [hbm4b:s28+s2], $0x80, s3, s2, $0xb8;
	[tilespmem:$0xFE80] =	vst v63  }
0x173: {  	_ =	swait.ge [sflag:s31], $0x800  }
0x174: {  	s29 =	simm.s32 $0x10;
	[sflag:s31] =	ssyncset.done $0x0  }
0x175: {  	s4 =	simm.s32 $0xFD80;
	s0 =	rddreg [dreg:$0xc];
	[sflag:s31] =	ssyncadd.s32 $0xFFFFF800  }
.LBB2_12:
0x176: {  	s0 =	rddreg [dreg:$0x4]  }
0x177: {  	[tilespmem:s30], [sflag:$0x1] =	stream.indirect.gather [hbm4b:s0+s29], $0x80, s4, s29, $0xb8;
	[tilespmem:$0xFE80] =	vst v63  }
0x178: {  	_ =	swait.ge [sflag:s31], $0x800  }
0x179: {  	[sflag:s31] =	ssyncset.done $0x0  }
0x17a: {  	[sflag:s31] =	ssyncadd.s32 $0xFFFFF800  }
0x17b: {  	v7 =	vld [tilespmem:$0xF580]  }
0x17c: {  	v8 =	vld [tilespmem:$0xF600]  }
0x17d: {  	v9 =	vld [tilespmem:$0xF680]  }
0x17e: {  	v10 =	vld [tilespmem:$0xF700]  }
0x17f: {  	v11 =	vld [tilespmem:$0xF780]  }
0x180: {  	v12 =	vld [tilespmem:$0xF800]  }
0x181: {  	v13 =	vld [tilespmem:$0xF590]  }
0x182: {  	v14 =	vld [tilespmem:$0xF610]  }
0x183: {  	v15 =	vld [tilespmem:$0xF690]  }
0x184: {  	v16 =	vld [tilespmem:$0xF710]  }
0x185: {  	v17 =	vld [tilespmem:$0xF790]  }
0x186: {  	v18 =	vld [tilespmem:$0xF810]  }
0x187: {  	v19 =	vld [tilespmem:$0xF5A0]  }
0x188: {  	v20 =	vld [tilespmem:$0xF620]  }
0x189: {  	v21 =	vld [tilespmem:$0xF6A0]  }
0x18a: {  	v22 =	vld [tilespmem:$0xF720]  }
0x18b: {  	v23 =	vld [tilespmem:$0xF7A0]  }
0x18c: {  	v24 =	vld [tilespmem:$0xF820]  }
0x18d: {  	v25 =	vld [tilespmem:$0xF5B0]  }
0x18e: {  	v26 =	vld [tilespmem:$0xF630]  }
0x18f: {  	v27 =	vld [tilespmem:$0xF6B0]  }
0x190: {  	v28 =	vld [tilespmem:$0xF730]  }
0x191: {  	v29 =	vld [tilespmem:$0xF7B0]  }
0x192: {  	v30 =	vld [tilespmem:$0xF830]  }
0x193: {  	v31 =	vld [tilespmem:$0xF5C0]  }
0x194: {  	v32 =	vld [tilespmem:$0xF640]  }
0x195: {  	v33 =	vld [tilespmem:$0xF6C0]  }
0x196: {  	v34 =	vld [tilespmem:$0xF740]  }
0x197: {  	v35 =	vld [tilespmem:$0xF7C0]  }
0x198: {  	v36 =	vld [tilespmem:$0xF840]  }
0x199: {  	v37 =	vld [tilespmem:$0xF5D0]  }
0x19a: {  	v42 =	vld [tilespmem:$0xF6D0]  }
0x19b: {  	v44 =	vld [tilespmem:$0xF750];
	v7 =	vadd.f32 v8, v7;
	v13 =	vadd.f32 v14, v13  }
0x19c: {  	v46 =	vld [tilespmem:$0xF7D0];
	v43 =	vadd.f32 v20, v19;
	v45 =	vadd.f32 v26, v25  }
0x19d: {  	v8 =	vld [tilespmem:$0xF650];
	v53 =	vadd.f32 v32, v31;
	v7 =	vadd.f32 v9, v7  }
0x19e: {  	v47 =	vld [tilespmem:$0xF850];
	v13 =	vadd.f32 v15, v13;
	v9 =	vadd.f32 v21, v43  }
0x19f: {  	v48 =	vld [tilespmem:$0xF5E0];
	v15 =	vadd.f32 v27, v45;
	v21 =	vadd.f32 v33, v53  }
0x1a0: {  	v49 =	vld [tilespmem:$0xF660];
	v7 =	vadd.f32 v10, v7;
	v13 =	vadd.f32 v16, v13  }
0x1a1: {  	v50 =	vld [tilespmem:$0xF5F0];
	v9 =	vadd.f32 v22, v9;
	v15 =	vadd.f32 v28, v15  }
0x1a2: {  	v51 =	vld [tilespmem:$0xF670];
	v58 =	vadd.f32 v34, v21;
	v8 =	vadd.f32 v8, v37  }
0x1a3: {  	v52 =	vld [tilespmem:$0xF6E0];
	v7 =	vadd.f32 v11, v7;
	v13 =	vadd.f32 v17, v13  }
0x1a4: {  	v54 =	vld [tilespmem:$0xF6F0];
	v9 =	vadd.f32 v23, v9;
	v15 =	vadd.f32 v29, v15  }
0x1a5: {  	v55 =	vld [tilespmem:$0xF760];
	v11 =	vadd.f32 v49, v48;
	v8 =	vadd.f32 v42, v8  }
0x1a6: {  	v56 =	vld [tilespmem:$0xF770];
	v7 =	vadd.f32 v12, v7;
	v13 =	vadd.f32 v18, v13  }
0x1a7: {  	v57 =	vld [tilespmem:$0xF7E0];
	v9 =	vadd.f32 v24, v9;
	v12 =	vadd.f32 v51, v50  }
0x1a8: {  	v59 =	vld [tilespmem:$0xF7F0];
	v15 =	vadd.f32 v30, v15;
	v11 =	vadd.f32 v52, v11  }
0x1a9: {  	v60 =	vld [tilespmem:$0xF860];
	v8 =	vadd.f32 v44, v8;
	v12 =	vadd.f32 v54, v12  }
0x1aa: {  	v61 =	vld [tilespmem:$0xF870];
	[tilespmem:$0xFE00] =	vst v7;
	v7 =	vadd.f32 v35, v58;
	v11 =	vadd.f32 v55, v11  }
0x1ab: {  	[tilespmem:$0xFE10] =	vst v13;
	v8 =	vadd.f32 v46, v8;
	v12 =	vadd.f32 v56, v12  }
0x1ac: {  	[tilespmem:$0xFE20] =	vst v9;
	v7 =	vadd.f32 v36, v7;
	v62 =	vadd.f32 v57, v11  }
0x1ad: {  	[tilespmem:$0xFE30] =	vst v15;
	v8 =	vadd.f32 v47, v8;
	v63 =	vadd.f32 v59, v12  }
0x1ae: {  	[tilespmem:$0xFE40] =	vst v7;
	v7 =	vadd.f32 v60, v62  }
0x1af: {  	[tilespmem:$0xFE50] =	vst v8;
	v8 =	vadd.f32 v61, v63  }
0x1b0: {  	[tilespmem:$0xFE60] =	vst v7  }
0x1b1: {  	s2 =	simm.s32 $0xFE00;
	s28 =	rddreg [dreg:$0xa];
	[tilespmem:$0xFE70] =	vst v8  }
0x1b2: {  	[hbm4b:s28+s5] =	stream.linear.scatter [tilespmem:s2], [sflag:$0x2], $0x80, $0x38;
	[tilespmem:$0xFE80] =	vst v63  }
0x1b3: {  	_ =	swait.ge [sflag:s22], $0x80  }
0x1b4: {  	[sflag:s22] =	ssyncset.done $0x0  }
0x1b5: {  	s0 =	rddreg [dreg:$0xb];
	[sflag:s22] =	ssyncadd.s32 $0xFFFFFF80  }
.LBB2_13:
.Ltmp14:
0x1b6: {  	(pc) =	sbr.rel .LBB2_14-.Ltmp14, $4  }
0x1b7: {  	[hbm4b:s0+s5] =	stream.linear.scatter [tilespmem:s30], [sflag:$0x2], $0x80, $0x38;
	[tilespmem:$0xFE80] =	vst v63  }
0x1b8: {  	_ =	swait.ge [sflag:s22], $0x80  }
0x1b9: {  	[sflag:s22] =	ssyncset.done $0x0  }
0x1ba: {  	[sflag:s22] =	ssyncadd.s32 $0xFFFFFF80  }
.LBB2_15:
0x1bb: {  	_ =	sfence.sel $0x180000  }
0x1bc: {  	[bflag:$0x0] =	sbarrier.arrive $0xFFFF  }
0x1bd: {  	_ =	strace $0x90000047  }
0x1be: {  	[bflag:$0x2] =	sbarrier.arrive $0xFFFF  }
0x1bf: {  	s0 =	rddreg [dreg:$0x7]  }
0x1c0: {  	s0 =	sadd.s32 @!p1 $0x100000, s0  }
0x1c1: {  	[sflag:s0] =	ssyncadd.tile.s32 @!p1 $0x1;
	_ =	shalt  }
.Lfunc_end2:
_tile_overlayer_lowered:
.L_overlay_start_2:
0x1c2: {  	(tag) =	ssettag $0x2  }
0x1c3: {  	s0 =	rddreg [dreg:$0x0];
	s2 =	stileid.u32  }
0x1c4: {  	s1 =	rddreg [dreg:$0x1];
	p0 =	sne.s32 s2, $0x0  }
0x1c5: {  	s3 =	rddreg [dreg:$0x2];
	[bflag:$0x3] =	sbarrier.arrive $0xFFFF;
	s2 =	simm.s32 @!p0 $0x1C02  }
0x1c6: {  	[timem:s3], [sflag:s2] =	dma.local @!p0 [hbm:s0], s1  }
0x1c7: {  	s0 =	simm.s32 @!p0 $0x2  }
0x1c8: {  	_ =	swait.ge @!p0 [sflag:s0], s1  }
0x1c9: {  	s1 =	ssub.s32 @!p0 $0x0, s1;
	[sflag:s0] =	ssyncset.done @!p0 $0x0  }
0x1ca: {  	[sflag:s0] =	ssyncadd.s32 @!p0 s1  }
0x1cb: {  	[bflag:$0x3] =	sbarrier.arrive $0xFFFF  }
0x1cc: {  	_ =	shalt  }

</sc_bundles>
